<compile_context>
chip_gen: v7x
topology: tpu7x:2x2x1
jax: 0.10.2.dev20260603
libtpu: 0.0.44.dev20260713+nightly
codegen_flags: <defaults>
</compile_context>

<pallas_src>
import functools

import jax
import jax.numpy as jnp
from jax import lax
from jax.experimental import pallas as pl
from jax.experimental.pallas import tpu as pltpu
from jax.experimental.pallas import tpu_sc as plsc

_TEMPLATE_SIZE = 100000
_TEMPLATE_FACTOR = 1000
_EMBED_DIM = 64
_BATCH = 16384
_MAX_NORM = 1.0
_SCALE = _TEMPLATE_SIZE / _TEMPLATE_FACTOR

_NC = 2
_NS = 16
_NW = _NC * _NS
_B_PER_W = _BATCH // _NW
_ROWS_PER_W = 2 * _B_PER_W
_GROUP = 128
_NGROUPS = _ROWS_PER_W // _GROUP
_LANES = 16


def _tc_prep(anno_ref, w_ref, pos_ref, iw_ref, ih_ref, table_ref):
    w2 = anno_ref[2]
    h2 = anno_ref[3]
    tw = (_SCALE * jnp.sqrt(w2 / h2)).astype(jnp.int32)
    th = (_SCALE * jnp.sqrt(h2 / w2)).astype(jnp.int32)
    iw_ref[...] = 2 * jnp.clip(tw, 0, _TEMPLATE_FACTOR - 1)
    ih_ref[...] = 2 * jnp.clip(th, 0, _TEMPLATE_FACTOR - 1) + 1

    wt = w_ref[...]
    norm = jnp.sqrt(jnp.sum(wt * wt, axis=1, keepdims=True))
    scale = jnp.where(norm > _MAX_NORM, _MAX_NORM / (norm + 1e-7),
                      jnp.ones_like(norm))
    scaled = wt * scale
    pos = pos_ref[...]
    table_ref[:, 0:_EMBED_DIM] = scaled + pos[0, 0, :][None, :]
    table_ref[:, _EMBED_DIM:2 * _EMBED_DIM] = scaled + pos[0, 1, :][None, :]


_tc_prep_call = pl.pallas_call(
    _tc_prep,
    out_shape=(
        jax.ShapeDtypeStruct((128, 128), jnp.int32),
        jax.ShapeDtypeStruct((128, 128), jnp.int32),
        jax.ShapeDtypeStruct((_TEMPLATE_FACTOR, 2 * _EMBED_DIM), jnp.float32),
    ),
)


@functools.partial(
    pl.kernel,
    mesh=plsc.VectorSubcoreMesh(core_axis_name="c", subcore_axis_name="s"),
    out_type=jax.ShapeDtypeStruct((2 * _BATCH, _EMBED_DIM), jnp.float32),
    scratch_types=[
        pltpu.VMEM((_B_PER_W,), jnp.int32),
        pltpu.VMEM((_B_PER_W,), jnp.int32),
        pltpu.VMEM((_ROWS_PER_W,), jnp.int32),
        pltpu.VMEM((_ROWS_PER_W, _EMBED_DIM), jnp.float32),
        pltpu.VMEM_SHARED((2 * _TEMPLATE_FACTOR, _EMBED_DIM), jnp.float32),
        pltpu.SemaphoreType.DMA,
        pltpu.SemaphoreType.DMA,
    ],
    compiler_params=pltpu.CompilerParams(use_tc_tiling_on_sc=False,
                                         needs_layout_passes=False),
)
def _sc_gather(table_hbm, iw_hbm, ih_hbm, out_hbm, iw_v, ih_v, il_v, rows_v,
               shared, sem, sem2):
    cid = lax.axis_index("c")
    sid = lax.axis_index("s")
    wid = sid * _NC + cid
    base = wid * _B_PER_W
    _SLAB = 2 * _TEMPLATE_FACTOR // _NS
    stage = pltpu.async_copy(table_hbm.at[pl.ds(sid * _SLAB, _SLAB)],
                             shared.at[pl.ds(sid * _SLAB, _SLAB)], sem2)
    pltpu.sync_copy(iw_hbm.at[pl.ds(base, _B_PER_W)], iw_v)
    pltpu.sync_copy(ih_hbm.at[pl.ds(base, _B_PER_W)], ih_v)
    lanes = lax.iota(jnp.int32, _LANES)
    for v in range(_B_PER_W // _LANES):
        tgt = 2 * _LANES * v + 2 * lanes
        plsc.store_scatter(il_v, [tgt], iw_v[pl.ds(v * _LANES, _LANES)])
        plsc.store_scatter(il_v, [tgt + 1], ih_v[pl.ds(v * _LANES, _LANES)])
    stage.wait()
    plsc.subcore_barrier()
    copies = []
    for g in range(_NGROUPS):
        copies.append(
            pltpu.async_copy(
                shared.at[il_v.at[pl.ds(g * _GROUP, _GROUP)]],
                rows_v.at[pl.ds(g * _GROUP, _GROUP)],
                sem,
            ))
    half = _ROWS_PER_W // 2
    for c in copies[:_NGROUPS // 2]:
        c.wait()
    out0 = pltpu.async_copy(rows_v.at[pl.ds(0, half)],
                            out_hbm.at[pl.ds(2 * base, half)], sem2)
    for c in copies[_NGROUPS // 2:]:
        c.wait()
    out0.wait()
    pltpu.sync_copy(rows_v.at[pl.ds(half, half)],
                    out_hbm.at[pl.ds(2 * base + half, half)])


_POST_CHUNK = 4096
_POST_N = _BATCH // _POST_CHUNK


def _tc_post(in_hbm, out_hbm, vin, vout, sem_in, sem_out):
    def in_copy(k):
        return pltpu.make_async_copy(
            in_hbm.at[pl.ds(k * _POST_CHUNK, _POST_CHUNK)],
            vin.at[k % 2], sem_in.at[k % 2])

    def out_copy(k, j):
        return pltpu.make_async_copy(
            vout.at[k % 2, pl.ds(j * _EMBED_DIM, _EMBED_DIM)],
            out_hbm.at[j, :, pl.ds(k * _POST_CHUNK, _POST_CHUNK)],
            sem_out.at[k % 2])

    in_copy(0).start()
    for k in range(_POST_N):
        if k + 1 < _POST_N:
            in_copy(k + 1).start()
        in_copy(k).wait()
        if k >= 2:
            out_copy(k - 2, 0).wait()
            out_copy(k - 2, 1).wait()
        x = vin[k % 2]
        vout[k % 2] = jnp.transpose(x, (1, 0))
        out_copy(k, 0).start()
        out_copy(k, 1).start()
    for k in (_POST_N - 2, _POST_N - 1):
        out_copy(k, 0).wait()
        out_copy(k, 1).wait()


_tc_post_call = pl.pallas_call(
    _tc_post,
    in_specs=[pl.BlockSpec(memory_space=pltpu.MemorySpace.HBM)],
    out_specs=pl.BlockSpec(memory_space=pltpu.MemorySpace.HBM),
    out_shape=jax.ShapeDtypeStruct((2, _EMBED_DIM, _BATCH), jnp.float32),
    scratch_shapes=[
        pltpu.VMEM((2, _POST_CHUNK, 2 * _EMBED_DIM), jnp.float32),
        pltpu.VMEM((2, 2 * _EMBED_DIM, _POST_CHUNK), jnp.float32),
        pltpu.SemaphoreType.DMA((2,)),
        pltpu.SemaphoreType.DMA((2,)),
    ],
)


def kernel(template_anno, weight, pos_embed):
    anno_t = template_anno.T.reshape(4, 128, 128)
    w1000 = weight[:_TEMPLATE_FACTOR]
    iw, ih, table128 = _tc_prep_call(anno_t, w1000, pos_embed)
    table = table128.reshape(2 * _TEMPLATE_FACTOR, _EMBED_DIM)
    out_flat = _sc_gather(table, iw.reshape(_BATCH), ih.reshape(_BATCH))
    out128 = out_flat.reshape(_BATCH, 2 * _EMBED_DIM)
    ot = _tc_post_call(out128)
    return jnp.transpose(ot, (2, 0, 1))

# --- scband reference (transcript-rebuilt; emitter-appended) ---
"""Pipeline reference for scband-embedding-89103391523304 (READ-ONLY COPY).

The authoritative reference and input builder live on the scoring server;
editing this copy changes nothing except your own understanding.
"""

import jax, jax.numpy as jnp
import numpy as np

TEMPLATE_SIZE = 100000
TEMPLATE_FACTOR = 1000
EMBED_DIM = 64
BATCH = 16384
MAX_NORM = 1.0


def setup_inputs(seed: int = 0) -> dict:
    key = jax.random.key(seed)
    k1, k2 = jax.random.split(key)
    # x, y, w, h box annotations; keep strictly positive so w/h and h/w are finite
    template_anno = jax.random.uniform(k1, (BATCH, 4), minval=0.05, maxval=1.0, dtype=jnp.float32)
    # nn.Embedding weight, trunc_normal_(std=0.02) approximated by normal * 0.02
    weight = jax.random.normal(k2, (TEMPLATE_SIZE, EMBED_DIM), dtype=jnp.float32) * 0.02
    # pos_embed initialized to zeros, shape [1, 2, embed_dim]
    pos_embed = jnp.zeros((1, 2, EMBED_DIM), dtype=jnp.float32)
    return {"template_anno": template_anno, "weight": weight, "pos_embed": pos_embed}


def _embedding_max_norm(weight, idx, max_norm=MAX_NORM):
    # torch nn.Embedding(max_norm=1, norm_type=2.0): rows whose L2 norm exceeds
    # max_norm are renormalized (in-place, no-grad in torch) before lookup.
    emb = jnp.take(weight, idx, axis=0)
    norms = jnp.linalg.norm(emb, ord=2, axis=-1, keepdims=True)
    scale = jnp.where(norms > max_norm, max_norm / (norms + 1e-7), jnp.ones_like(norms))
    scale = jax.lax.stop_gradient(scale)
    return emb * scale


def reference(template_anno, weight, pos_embed):
    x = template_anno[:, 0]
    y = template_anno[:, 1]
    w = template_anno[:, 2]
    h = template_anno[:, 3]
    template_w = (TEMPLATE_SIZE / TEMPLATE_FACTOR) * jnp.sqrt(w / h)
    template_h = (TEMPLATE_SIZE / TEMPLATE_FACTOR) * jnp.sqrt(h / w)
    wh = jnp.stack((template_w, template_h), axis=1).astype(jnp.int32)
    wh = jnp.clip(wh, 0, TEMPLATE_FACTOR - 1)
    return _embedding_max_norm(weight, wh) + pos_embed

if __name__ == "__main__":
    import jax
    _d = setup_inputs()
    print(jax.jit(kernel)(*tuple(_d.values())))

</pallas_src>

<mosaic_0001>
#map = affine_map<(d0, d1) -> (0, 0)>
#map1 = affine_map<(d0, d1) -> (0)>
module attributes {stable_mosaic.version = 14 : i64} {
  func.func @_sc_gather(%arg0: i32, %arg1: i32, %arg2: memref<2000x64xf32, #tpu.memory_space<hbm>>, %arg3: memref<16384xi32, #tpu.memory_space<hbm>>, %arg4: memref<16384xi32, #tpu.memory_space<hbm>>, %arg5: memref<32768x64xf32, #tpu.memory_space<hbm>>, %arg6: memref<512xi32, #tpu.memory_space<vmem>>, %arg7: memref<512xi32, #tpu.memory_space<vmem>>, %arg8: memref<1024xi32, #tpu.memory_space<vmem>>, %arg9: memref<1024x64xf32, #tpu.memory_space<vmem>>, %arg10: memref<2000x64xf32, #tpu.memory_space<vmem_shared>>, %arg11: memref<!tpu.dma_semaphore, #tpu.memory_space<semaphore_mem>>, %arg12: memref<!tpu.dma_semaphore, #tpu.memory_space<semaphore_mem>>) attributes {dimension_semantics = [#tpu.dimension_semantics<core_parallel>, #tpu.dimension_semantics<subcore_parallel>], iteration_bounds = array<i64: 2, 16>, scalar_prefetch = 0 : i64, scratch_operands = 7 : i64, tpu.core_type = #tpu.core_type<sc_vector_subcore>, window_params = [{transform_indices = #map}, {transform_indices = #map1}, {transform_indices = #map1}, {transform_indices = #map}]} {
    %mul3A = arith.constant 2 : i32
    %mul3A_0 = arith.muli %arg1, %mul3A : i32
    %add3A = arith.addi %mul3A_0, %arg0 : i32
    %mul3A_1 = arith.constant 512 : i32
    %mul3A_2 = arith.muli %add3A, %mul3A_1 : i32
    %mul3A_3 = arith.constant 125 : i32
    %mul3A_4 = arith.muli %arg1, %mul3A_3 : i32
    %mul3A_5 = arith.constant 125 : i32
    %mul3A_6 = arith.muli %arg1, %mul3A_5 : i32
    %dma_start3A = arith.constant 0 : i32
    %dma_start3A_7 = tpu.memref_slice %arg10[%mul3A_6, %dma_start3A] : memref<2000x64xf32, #tpu.memory_space<vmem_shared>> -> memref<125x64xf32, #tpu.memory_space<vmem_shared>>
    %dma_start3A_8 = arith.constant 0 : i32
    %dma_start3A_9 = tpu.memref_slice %arg2[%mul3A_4, %dma_start3A_8] : memref<2000x64xf32, #tpu.memory_space<hbm>> -> memref<125x64xf32, #tpu.memory_space<hbm>>
    tpu.enqueue_dma source(%dma_start3A_9 : memref<125x64xf32, #tpu.memory_space<hbm>>) target(%dma_start3A_7 : memref<125x64xf32, #tpu.memory_space<vmem_shared>>) target_semaphore(%arg12 : memref<!tpu.dma_semaphore, #tpu.memory_space<semaphore_mem>>)
    "tpu.region"() ({
      %run_scoped3A = tpu.sem_alloc : memref<!tpu.dma_semaphore, #tpu.memory_space<semaphore_mem>>
      %dma_start3A_582 = tpu.memref_slice %arg3[%mul3A_2] : memref<16384xi32, #tpu.memory_space<hbm>> -> memref<512xi32, #tpu.memory_space<hbm>>
      %dma_start3A_583 = tpu.memref_slice %arg3[%mul3A_2] : memref<16384xi32, #tpu.memory_space<hbm>> -> memref<512xi32, #tpu.memory_space<hbm>>
      tpu.enqueue_dma source(%dma_start3A_583 : memref<512xi32, #tpu.memory_space<hbm>>) target(%arg6 : memref<512xi32, #tpu.memory_space<vmem>>) target_semaphore(%run_scoped3A : memref<!tpu.dma_semaphore, #tpu.memory_space<semaphore_mem>>)
      %dma_wait3A_584 = tpu.memref_slice %arg3[%mul3A_2] : memref<16384xi32, #tpu.memory_space<hbm>> -> memref<512xi32, #tpu.memory_space<hbm>>
      %dma_wait3A_585 = tpu.memref_slice %arg3[%mul3A_2] : memref<16384xi32, #tpu.memory_space<hbm>> -> memref<512xi32, #tpu.memory_space<hbm>>
      tpu.wait_dma2 semaphore(%run_scoped3A : memref<!tpu.dma_semaphore, #tpu.memory_space<semaphore_mem>>) src(%dma_wait3A_585 : memref<512xi32, #tpu.memory_space<hbm>>) dst(%arg6 : memref<512xi32, #tpu.memory_space<vmem>>)
      tpu.yield
    }) : () -> ()
    "tpu.region"() ({
      %run_scoped3A = tpu.sem_alloc : memref<!tpu.dma_semaphore, #tpu.memory_space<semaphore_mem>>
      %dma_start3A_582 = tpu.memref_slice %arg4[%mul3A_2] : memref<16384xi32, #tpu.memory_space<hbm>> -> memref<512xi32, #tpu.memory_space<hbm>>
      %dma_start3A_583 = tpu.memref_slice %arg4[%mul3A_2] : memref<16384xi32, #tpu.memory_space<hbm>> -> memref<512xi32, #tpu.memory_space<hbm>>
      tpu.enqueue_dma source(%dma_start3A_583 : memref<512xi32, #tpu.memory_space<hbm>>) target(%arg7 : memref<512xi32, #tpu.memory_space<vmem>>) target_semaphore(%run_scoped3A : memref<!tpu.dma_semaphore, #tpu.memory_space<semaphore_mem>>)
      %dma_wait3A_584 = tpu.memref_slice %arg4[%mul3A_2] : memref<16384xi32, #tpu.memory_space<hbm>> -> memref<512xi32, #tpu.memory_space<hbm>>
      %dma_wait3A_585 = tpu.memref_slice %arg4[%mul3A_2] : memref<16384xi32, #tpu.memory_space<hbm>> -> memref<512xi32, #tpu.memory_space<hbm>>
      tpu.wait_dma2 semaphore(%run_scoped3A : memref<!tpu.dma_semaphore, #tpu.memory_space<semaphore_mem>>) src(%dma_wait3A_585 : memref<512xi32, #tpu.memory_space<hbm>>) dst(%arg7 : memref<512xi32, #tpu.memory_space<vmem>>)
      tpu.yield
    }) : () -> ()
    %iota3A = tpu.iota {dimensions = array<i32: 0>} : vector<16xi32>
    %mul3A_10 = arith.constant 2 : i32
    %mul3A_11 = vector.broadcast %mul3A_10 : i32 to vector<16xi32>
    %mul3A_12 = arith.muli %mul3A_11, %iota3A : vector<16xi32>
    %add3A_13 = arith.constant 0 : i32
    %add3A_14 = vector.broadcast %add3A_13 : i32 to vector<16xi32>
    %add3A_15 = arith.addi %add3A_14, %mul3A_12 : vector<16xi32>
    %get3A = arith.constant 0 : index
    %get3A_16 = tpu.vector_load %arg6[%get3A] {strides = array<i32>} : memref<512xi32, #tpu.memory_space<vmem>>, vector<16xi32>,
    tpu.vector_store_idx %arg8[%add3A_15], %get3A_16 : memref<1024xi32, #tpu.memory_space<vmem>>[vector<16xi32>], vector<16xi32>,
    %add3A_17 = arith.constant 1 : i32
    %add3A_18 = vector.broadcast %add3A_17 : i32 to vector<16xi32>
    %add3A_19 = arith.addi %add3A_15, %add3A_18 : vector<16xi32>
    %get3A_20 = arith.constant 0 : index
    %get3A_21 = tpu.vector_load %arg7[%get3A_20] {strides = array<i32>} : memref<512xi32, #tpu.memory_space<vmem>>, vector<16xi32>,
    tpu.vector_store_idx %arg8[%add3A_19], %get3A_21 : memref<1024xi32, #tpu.memory_space<vmem>>[vector<16xi32>], vector<16xi32>,
    %mul3A_22 = arith.constant 2 : i32
    %mul3A_23 = vector.broadcast %mul3A_22 : i32 to vector<16xi32>
    %mul3A_24 = arith.muli %mul3A_23, %iota3A : vector<16xi32>
    %add3A_25 = arith.constant 32 : i32
    %add3A_26 = vector.broadcast %add3A_25 : i32 to vector<16xi32>
    %add3A_27 = arith.addi %add3A_26, %mul3A_24 : vector<16xi32>
    %get3A_28 = arith.constant 16 : index
    %get3A_29 = tpu.vector_load %arg6[%get3A_28] {strides = array<i32>} : memref<512xi32, #tpu.memory_space<vmem>>, vector<16xi32>,
    tpu.vector_store_idx %arg8[%add3A_27], %get3A_29 : memref<1024xi32, #tpu.memory_space<vmem>>[vector<16xi32>], vector<16xi32>,
    %add3A_30 = arith.constant 1 : i32
    %add3A_31 = vector.broadcast %add3A_30 : i32 to vector<16xi32>
    %add3A_32 = arith.addi %add3A_27, %add3A_31 : vector<16xi32>
    %get3A_33 = arith.constant 16 : index
    %get3A_34 = tpu.vector_load %arg7[%get3A_33] {strides = array<i32>} : memref<512xi32, #tpu.memory_space<vmem>>, vector<16xi32>,
    tpu.vector_store_idx %arg8[%add3A_32], %get3A_34 : memref<1024xi32, #tpu.memory_space<vmem>>[vector<16xi32>], vector<16xi32>,
    %mul3A_35 = arith.constant 2 : i32
    %mul3A_36 = vector.broadcast %mul3A_35 : i32 to vector<16xi32>
    %mul3A_37 = arith.muli %mul3A_36, %iota3A : vector<16xi32>
    %add3A_38 = arith.constant 64 : i32
    %add3A_39 = vector.broadcast %add3A_38 : i32 to vector<16xi32>
    %add3A_40 = arith.addi %add3A_39, %mul3A_37 : vector<16xi32>
    %get3A_41 = arith.constant 32 : index
    %get3A_42 = tpu.vector_load %arg6[%get3A_41] {strides = array<i32>} : memref<512xi32, #tpu.memory_space<vmem>>, vector<16xi32>,
    tpu.vector_store_idx %arg8[%add3A_40], %get3A_42 : memref<1024xi32, #tpu.memory_space<vmem>>[vector<16xi32>], vector<16xi32>,
    %add3A_43 = arith.constant 1 : i32
    %add3A_44 = vector.broadcast %add3A_43 : i32 to vector<16xi32>
    %add3A_45 = arith.addi %add3A_40, %add3A_44 : vector<16xi32>
    %get3A_46 = arith.constant 32 : index
    %get3A_47 = tpu.vector_load %arg7[%get3A_46] {strides = array<i32>} : memref<512xi32, #tpu.memory_space<vmem>>, vector<16xi32>,
    tpu.vector_store_idx %arg8[%add3A_45], %get3A_47 : memref<1024xi32, #tpu.memory_space<vmem>>[vector<16xi32>], vector<16xi32>,
    %mul3A_48 = arith.constant 2 : i32
    %mul3A_49 = vector.broadcast %mul3A_48 : i32 to vector<16xi32>
    %mul3A_50 = arith.muli %mul3A_49, %iota3A : vector<16xi32>
    %add3A_51 = arith.constant 96 : i32
    %add3A_52 = vector.broadcast %add3A_51 : i32 to vector<16xi32>
    %add3A_53 = arith.addi %add3A_52, %mul3A_50 : vector<16xi32>
    %get3A_54 = arith.constant 48 : index
    %get3A_55 = tpu.vector_load %arg6[%get3A_54] {strides = array<i32>} : memref<512xi32, #tpu.memory_space<vmem>>, vector<16xi32>,
    tpu.vector_store_idx %arg8[%add3A_53], %get3A_55 : memref<1024xi32, #tpu.memory_space<vmem>>[vector<16xi32>], vector<16xi32>,
    %add3A_56 = arith.constant 1 : i32
    %add3A_57 = vector.broadcast %add3A_56 : i32 to vector<16xi32>
    %add3A_58 = arith.addi %add3A_53, %add3A_57 : vector<16xi32>
    %get3A_59 = arith.constant 48 : index
    %get3A_60 = tpu.vector_load %arg7[%get3A_59] {strides = array<i32>} : memref<512xi32, #tpu.memory_space<vmem>>, vector<16xi32>,
    tpu.vector_store_idx %arg8[%add3A_58], %get3A_60 : memref<1024xi32, #tpu.memory_space<vmem>>[vector<16xi32>], vector<16xi32>,
    %mul3A_61 = arith.constant 2 : i32
    %mul3A_62 = vector.broadcast %mul3A_61 : i32 to vector<16xi32>
    %mul3A_63 = arith.muli %mul3A_62, %iota3A : vector<16xi32>
    %add3A_64 = arith.constant 128 : i32
    %add3A_65 = vector.broadcast %add3A_64 : i32 to vector<16xi32>
    %add3A_66 = arith.addi %add3A_65, %mul3A_63 : vector<16xi32>
    %get3A_67 = arith.constant 64 : index
    %get3A_68 = tpu.vector_load %arg6[%get3A_67] {strides = array<i32>} : memref<512xi32, #tpu.memory_space<vmem>>, vector<16xi32>,
    tpu.vector_store_idx %arg8[%add3A_66], %get3A_68 : memref<1024xi32, #tpu.memory_space<vmem>>[vector<16xi32>], vector<16xi32>,
    %add3A_69 = arith.constant 1 : i32
    %add3A_70 = vector.broadcast %add3A_69 : i32 to vector<16xi32>
    %add3A_71 = arith.addi %add3A_66, %add3A_70 : vector<16xi32>
    %get3A_72 = arith.constant 64 : index
    %get3A_73 = tpu.vector_load %arg7[%get3A_72] {strides = array<i32>} : memref<512xi32, #tpu.memory_space<vmem>>, vector<16xi32>,
    tpu.vector_store_idx %arg8[%add3A_71], %get3A_73 : memref<1024xi32, #tpu.memory_space<vmem>>[vector<16xi32>], vector<16xi32>,
    %mul3A_74 = arith.constant 2 : i32
    %mul3A_75 = vector.broadcast %mul3A_74 : i32 to vector<16xi32>
    %mul3A_76 = arith.muli %mul3A_75, %iota3A : vector<16xi32>
    %add3A_77 = arith.constant 160 : i32
    %add3A_78 = vector.broadcast %add3A_77 : i32 to vector<16xi32>
    %add3A_79 = arith.addi %add3A_78, %mul3A_76 : vector<16xi32>
    %get3A_80 = arith.constant 80 : index
    %get3A_81 = tpu.vector_load %arg6[%get3A_80] {strides = array<i32>} : memref<512xi32, #tpu.memory_space<vmem>>, vector<16xi32>,
    tpu.vector_store_idx %arg8[%add3A_79], %get3A_81 : memref<1024xi32, #tpu.memory_space<vmem>>[vector<16xi32>], vector<16xi32>,
    %add3A_82 = arith.constant 1 : i32
    %add3A_83 = vector.broadcast %add3A_82 : i32 to vector<16xi32>
    %add3A_84 = arith.addi %add3A_79, %add3A_83 : vector<16xi32>
    %get3A_85 = arith.constant 80 : index
    %get3A_86 = tpu.vector_load %arg7[%get3A_85] {strides = array<i32>} : memref<512xi32, #tpu.memory_space<vmem>>, vector<16xi32>,
    tpu.vector_store_idx %arg8[%add3A_84], %get3A_86 : memref<1024xi32, #tpu.memory_space<vmem>>[vector<16xi32>], vector<16xi32>,
    %mul3A_87 = arith.constant 2 : i32
    %mul3A_88 = vector.broadcast %mul3A_87 : i32 to vector<16xi32>
    %mul3A_89 = arith.muli %mul3A_88, %iota3A : vector<16xi32>
    %add3A_90 = arith.constant 192 : i32
    %add3A_91 = vector.broadcast %add3A_90 : i32 to vector<16xi32>
    %add3A_92 = arith.addi %add3A_91, %mul3A_89 : vector<16xi32>
    %get3A_93 = arith.constant 96 : index
    %get3A_94 = tpu.vector_load %arg6[%get3A_93] {strides = array<i32>} : memref<512xi32, #tpu.memory_space<vmem>>, vector<16xi32>,
    tpu.vector_store_idx %arg8[%add3A_92], %get3A_94 : memref<1024xi32, #tpu.memory_space<vmem>>[vector<16xi32>], vector<16xi32>,
    %add3A_95 = arith.constant 1 : i32
    %add3A_96 = vector.broadcast %add3A_95 : i32 to vector<16xi32>
    %add3A_97 = arith.addi %add3A_92, %add3A_96 : vector<16xi32>
    %get3A_98 = arith.constant 96 : index
    %get3A_99 = tpu.vector_load %arg7[%get3A_98] {strides = array<i32>} : memref<512xi32, #tpu.memory_space<vmem>>, vector<16xi32>,
    tpu.vector_store_idx %arg8[%add3A_97], %get3A_99 : memref<1024xi32, #tpu.memory_space<vmem>>[vector<16xi32>], vector<16xi32>,
    %mul3A_100 = arith.constant 2 : i32
    %mul3A_101 = vector.broadcast %mul3A_100 : i32 to vector<16xi32>
    %mul3A_102 = arith.muli %mul3A_101, %iota3A : vector<16xi32>
    %add3A_103 = arith.constant 224 : i32
    %add3A_104 = vector.broadcast %add3A_103 : i32 to vector<16xi32>
    %add3A_105 = arith.addi %add3A_104, %mul3A_102 : vector<16xi32>
    %get3A_106 = arith.constant 112 : index
    %get3A_107 = tpu.vector_load %arg6[%get3A_106] {strides = array<i32>} : memref<512xi32, #tpu.memory_space<vmem>>, vector<16xi32>,
    tpu.vector_store_idx %arg8[%add3A_105], %get3A_107 : memref<1024xi32, #tpu.memory_space<vmem>>[vector<16xi32>], vector<16xi32>,
    %add3A_108 = arith.constant 1 : i32
    %add3A_109 = vector.broadcast %add3A_108 : i32 to vector<16xi32>
    %add3A_110 = arith.addi %add3A_105, %add3A_109 : vector<16xi32>
    %get3A_111 = arith.constant 112 : index
    %get3A_112 = tpu.vector_load %arg7[%get3A_111] {strides = array<i32>} : memref<512xi32, #tpu.memory_space<vmem>>, vector<16xi32>,
    tpu.vector_store_idx %arg8[%add3A_110], %get3A_112 : memref<1024xi32, #tpu.memory_space<vmem>>[vector<16xi32>], vector<16xi32>,
    %mul3A_113 = arith.constant 2 : i32
    %mul3A_114 = vector.broadcast %mul3A_113 : i32 to vector<16xi32>
    %mul3A_115 = arith.muli %mul3A_114, %iota3A : vector<16xi32>
    %add3A_116 = arith.constant 256 : i32
    %add3A_117 = vector.broadcast %add3A_116 : i32 to vector<16xi32>
    %add3A_118 = arith.addi %add3A_117, %mul3A_115 : vector<16xi32>
    %get3A_119 = arith.constant 128 : index
    %get3A_120 = tpu.vector_load %arg6[%get3A_119] {strides = array<i32>} : memref<512xi32, #tpu.memory_space<vmem>>, vector<16xi32>,
    tpu.vector_store_idx %arg8[%add3A_118], %get3A_120 : memref<1024xi32, #tpu.memory_space<vmem>>[vector<16xi32>], vector<16xi32>,
    %add3A_121 = arith.constant 1 : i32
    %add3A_122 = vector.broadcast %add3A_121 : i32 to vector<16xi32>
    %add3A_123 = arith.addi %add3A_118, %add3A_122 : vector<16xi32>
    %get3A_124 = arith.constant 128 : index
    %get3A_125 = tpu.vector_load %arg7[%get3A_124] {strides = array<i32>} : memref<512xi32, #tpu.memory_space<vmem>>, vector<16xi32>,
    tpu.vector_store_idx %arg8[%add3A_123], %get3A_125 : memref<1024xi32, #tpu.memory_space<vmem>>[vector<16xi32>], vector<16xi32>,
    %mul3A_126 = arith.constant 2 : i32
    %mul3A_127 = vector.broadcast %mul3A_126 : i32 to vector<16xi32>
    %mul3A_128 = arith.muli %mul3A_127, %iota3A : vector<16xi32>
    %add3A_129 = arith.constant 288 : i32
    %add3A_130 = vector.broadcast %add3A_129 : i32 to vector<16xi32>
    %add3A_131 = arith.addi %add3A_130, %mul3A_128 : vector<16xi32>
    %get3A_132 = arith.constant 144 : index
    %get3A_133 = tpu.vector_load %arg6[%get3A_132] {strides = array<i32>} : memref<512xi32, #tpu.memory_space<vmem>>, vector<16xi32>,
    tpu.vector_store_idx %arg8[%add3A_131], %get3A_133 : memref<1024xi32, #tpu.memory_space<vmem>>[vector<16xi32>], vector<16xi32>,
    %add3A_134 = arith.constant 1 : i32
    %add3A_135 = vector.broadcast %add3A_134 : i32 to vector<16xi32>
    %add3A_136 = arith.addi %add3A_131, %add3A_135 : vector<16xi32>
    %get3A_137 = arith.constant 144 : index
    %get3A_138 = tpu.vector_load %arg7[%get3A_137] {strides = array<i32>} : memref<512xi32, #tpu.memory_space<vmem>>, vector<16xi32>,
    tpu.vector_store_idx %arg8[%add3A_136], %get3A_138 : memref<1024xi32, #tpu.memory_space<vmem>>[vector<16xi32>], vector<16xi32>,
    %mul3A_139 = arith.constant 2 : i32
    %mul3A_140 = vector.broadcast %mul3A_139 : i32 to vector<16xi32>
    %mul3A_141 = arith.muli %mul3A_140, %iota3A : vector<16xi32>
    %add3A_142 = arith.constant 320 : i32
    %add3A_143 = vector.broadcast %add3A_142 : i32 to vector<16xi32>
    %add3A_144 = arith.addi %add3A_143, %mul3A_141 : vector<16xi32>
    %get3A_145 = arith.constant 160 : index
    %get3A_146 = tpu.vector_load %arg6[%get3A_145] {strides = array<i32>} : memref<512xi32, #tpu.memory_space<vmem>>, vector<16xi32>,
    tpu.vector_store_idx %arg8[%add3A_144], %get3A_146 : memref<1024xi32, #tpu.memory_space<vmem>>[vector<16xi32>], vector<16xi32>,
    %add3A_147 = arith.constant 1 : i32
    %add3A_148 = vector.broadcast %add3A_147 : i32 to vector<16xi32>
    %add3A_149 = arith.addi %add3A_144, %add3A_148 : vector<16xi32>
    %get3A_150 = arith.constant 160 : index
    %get3A_151 = tpu.vector_load %arg7[%get3A_150] {strides = array<i32>} : memref<512xi32, #tpu.memory_space<vmem>>, vector<16xi32>,
    tpu.vector_store_idx %arg8[%add3A_149], %get3A_151 : memref<1024xi32, #tpu.memory_space<vmem>>[vector<16xi32>], vector<16xi32>,
    %mul3A_152 = arith.constant 2 : i32
    %mul3A_153 = vector.broadcast %mul3A_152 : i32 to vector<16xi32>
    %mul3A_154 = arith.muli %mul3A_153, %iota3A : vector<16xi32>
    %add3A_155 = arith.constant 352 : i32
    %add3A_156 = vector.broadcast %add3A_155 : i32 to vector<16xi32>
    %add3A_157 = arith.addi %add3A_156, %mul3A_154 : vector<16xi32>
    %get3A_158 = arith.constant 176 : index
    %get3A_159 = tpu.vector_load %arg6[%get3A_158] {strides = array<i32>} : memref<512xi32, #tpu.memory_space<vmem>>, vector<16xi32>,
    tpu.vector_store_idx %arg8[%add3A_157], %get3A_159 : memref<1024xi32, #tpu.memory_space<vmem>>[vector<16xi32>], vector<16xi32>,
    %add3A_160 = arith.constant 1 : i32
    %add3A_161 = vector.broadcast %add3A_160 : i32 to vector<16xi32>
    %add3A_162 = arith.addi %add3A_157, %add3A_161 : vector<16xi32>
    %get3A_163 = arith.constant 176 : index
    %get3A_164 = tpu.vector_load %arg7[%get3A_163] {strides = array<i32>} : memref<512xi32, #tpu.memory_space<vmem>>, vector<16xi32>,
    tpu.vector_store_idx %arg8[%add3A_162], %get3A_164 : memref<1024xi32, #tpu.memory_space<vmem>>[vector<16xi32>], vector<16xi32>,
    %mul3A_165 = arith.constant 2 : i32
    %mul3A_166 = vector.broadcast %mul3A_165 : i32 to vector<16xi32>
    %mul3A_167 = arith.muli %mul3A_166, %iota3A : vector<16xi32>
    %add3A_168 = arith.constant 384 : i32
    %add3A_169 = vector.broadcast %add3A_168 : i32 to vector<16xi32>
    %add3A_170 = arith.addi %add3A_169, %mul3A_167 : vector<16xi32>
    %get3A_171 = arith.constant 192 : index
    %get3A_172 = tpu.vector_load %arg6[%get3A_171] {strides = array<i32>} : memref<512xi32, #tpu.memory_space<vmem>>, vector<16xi32>,
    tpu.vector_store_idx %arg8[%add3A_170], %get3A_172 : memref<1024xi32, #tpu.memory_space<vmem>>[vector<16xi32>], vector<16xi32>,
    %add3A_173 = arith.constant 1 : i32
    %add3A_174 = vector.broadcast %add3A_173 : i32 to vector<16xi32>
    %add3A_175 = arith.addi %add3A_170, %add3A_174 : vector<16xi32>
    %get3A_176 = arith.constant 192 : index
    %get3A_177 = tpu.vector_load %arg7[%get3A_176] {strides = array<i32>} : memref<512xi32, #tpu.memory_space<vmem>>, vector<16xi32>,
    tpu.vector_store_idx %arg8[%add3A_175], %get3A_177 : memref<1024xi32, #tpu.memory_space<vmem>>[vector<16xi32>], vector<16xi32>,
    %mul3A_178 = arith.constant 2 : i32
    %mul3A_179 = vector.broadcast %mul3A_178 : i32 to vector<16xi32>
    %mul3A_180 = arith.muli %mul3A_179, %iota3A : vector<16xi32>
    %add3A_181 = arith.constant 416 : i32
    %add3A_182 = vector.broadcast %add3A_181 : i32 to vector<16xi32>
    %add3A_183 = arith.addi %add3A_182, %mul3A_180 : vector<16xi32>
    %get3A_184 = arith.constant 208 : index
    %get3A_185 = tpu.vector_load %arg6[%get3A_184] {strides = array<i32>} : memref<512xi32, #tpu.memory_space<vmem>>, vector<16xi32>,
    tpu.vector_store_idx %arg8[%add3A_183], %get3A_185 : memref<1024xi32, #tpu.memory_space<vmem>>[vector<16xi32>], vector<16xi32>,
    %add3A_186 = arith.constant 1 : i32
    %add3A_187 = vector.broadcast %add3A_186 : i32 to vector<16xi32>
    %add3A_188 = arith.addi %add3A_183, %add3A_187 : vector<16xi32>
    %get3A_189 = arith.constant 208 : index
    %get3A_190 = tpu.vector_load %arg7[%get3A_189] {strides = array<i32>} : memref<512xi32, #tpu.memory_space<vmem>>, vector<16xi32>,
    tpu.vector_store_idx %arg8[%add3A_188], %get3A_190 : memref<1024xi32, #tpu.memory_space<vmem>>[vector<16xi32>], vector<16xi32>,
    %mul3A_191 = arith.constant 2 : i32
    %mul3A_192 = vector.broadcast %mul3A_191 : i32 to vector<16xi32>
    %mul3A_193 = arith.muli %mul3A_192, %iota3A : vector<16xi32>
    %add3A_194 = arith.constant 448 : i32
    %add3A_195 = vector.broadcast %add3A_194 : i32 to vector<16xi32>
    %add3A_196 = arith.addi %add3A_195, %mul3A_193 : vector<16xi32>
    %get3A_197 = arith.constant 224 : index
    %get3A_198 = tpu.vector_load %arg6[%get3A_197] {strides = array<i32>} : memref<512xi32, #tpu.memory_space<vmem>>, vector<16xi32>,
    tpu.vector_store_idx %arg8[%add3A_196], %get3A_198 : memref<1024xi32, #tpu.memory_space<vmem>>[vector<16xi32>], vector<16xi32>,
    %add3A_199 = arith.constant 1 : i32
    %add3A_200 = vector.broadcast %add3A_199 : i32 to vector<16xi32>
    %add3A_201 = arith.addi %add3A_196, %add3A_200 : vector<16xi32>
    %get3A_202 = arith.constant 224 : index
    %get3A_203 = tpu.vector_load %arg7[%get3A_202] {strides = array<i32>} : memref<512xi32, #tpu.memory_space<vmem>>, vector<16xi32>,
    tpu.vector_store_idx %arg8[%add3A_201], %get3A_203 : memref<1024xi32, #tpu.memory_space<vmem>>[vector<16xi32>], vector<16xi32>,
    %mul3A_204 = arith.constant 2 : i32
    %mul3A_205 = vector.broadcast %mul3A_204 : i32 to vector<16xi32>
    %mul3A_206 = arith.muli %mul3A_205, %iota3A : vector<16xi32>
    %add3A_207 = arith.constant 480 : i32
    %add3A_208 = vector.broadcast %add3A_207 : i32 to vector<16xi32>
    %add3A_209 = arith.addi %add3A_208, %mul3A_206 : vector<16xi32>
    %get3A_210 = arith.constant 240 : index
    %get3A_211 = tpu.vector_load %arg6[%get3A_210] {strides = array<i32>} : memref<512xi32, #tpu.memory_space<vmem>>, vector<16xi32>,
    tpu.vector_store_idx %arg8[%add3A_209], %get3A_211 : memref<1024xi32, #tpu.memory_space<vmem>>[vector<16xi32>], vector<16xi32>,
    %add3A_212 = arith.constant 1 : i32
    %add3A_213 = vector.broadcast %add3A_212 : i32 to vector<16xi32>
    %add3A_214 = arith.addi %add3A_209, %add3A_213 : vector<16xi32>
    %get3A_215 = arith.constant 240 : index
    %get3A_216 = tpu.vector_load %arg7[%get3A_215] {strides = array<i32>} : memref<512xi32, #tpu.memory_space<vmem>>, vector<16xi32>,
    tpu.vector_store_idx %arg8[%add3A_214], %get3A_216 : memref<1024xi32, #tpu.memory_space<vmem>>[vector<16xi32>], vector<16xi32>,
    %mul3A_217 = arith.constant 2 : i32
    %mul3A_218 = vector.broadcast %mul3A_217 : i32 to vector<16xi32>
    %mul3A_219 = arith.muli %mul3A_218, %iota3A : vector<16xi32>
    %add3A_220 = arith.constant 512 : i32
    %add3A_221 = vector.broadcast %add3A_220 : i32 to vector<16xi32>
    %add3A_222 = arith.addi %add3A_221, %mul3A_219 : vector<16xi32>
    %get3A_223 = arith.constant 256 : index
    %get3A_224 = tpu.vector_load %arg6[%get3A_223] {strides = array<i32>} : memref<512xi32, #tpu.memory_space<vmem>>, vector<16xi32>,
    tpu.vector_store_idx %arg8[%add3A_222], %get3A_224 : memref<1024xi32, #tpu.memory_space<vmem>>[vector<16xi32>], vector<16xi32>,
    %add3A_225 = arith.constant 1 : i32
    %add3A_226 = vector.broadcast %add3A_225 : i32 to vector<16xi32>
    %add3A_227 = arith.addi %add3A_222, %add3A_226 : vector<16xi32>
    %get3A_228 = arith.constant 256 : index
    %get3A_229 = tpu.vector_load %arg7[%get3A_228] {strides = array<i32>} : memref<512xi32, #tpu.memory_space<vmem>>, vector<16xi32>,
    tpu.vector_store_idx %arg8[%add3A_227], %get3A_229 : memref<1024xi32, #tpu.memory_space<vmem>>[vector<16xi32>], vector<16xi32>,
    %mul3A_230 = arith.constant 2 : i32
    %mul3A_231 = vector.broadcast %mul3A_230 : i32 to vector<16xi32>
    %mul3A_232 = arith.muli %mul3A_231, %iota3A : vector<16xi32>
    %add3A_233 = arith.constant 544 : i32
    %add3A_234 = vector.broadcast %add3A_233 : i32 to vector<16xi32>
    %add3A_235 = arith.addi %add3A_234, %mul3A_232 : vector<16xi32>
    %get3A_236 = arith.constant 272 : index
    %get3A_237 = tpu.vector_load %arg6[%get3A_236] {strides = array<i32>} : memref<512xi32, #tpu.memory_space<vmem>>, vector<16xi32>,
    tpu.vector_store_idx %arg8[%add3A_235], %get3A_237 : memref<1024xi32, #tpu.memory_space<vmem>>[vector<16xi32>], vector<16xi32>,
    %add3A_238 = arith.constant 1 : i32
    %add3A_239 = vector.broadcast %add3A_238 : i32 to vector<16xi32>
    %add3A_240 = arith.addi %add3A_235, %add3A_239 : vector<16xi32>
    %get3A_241 = arith.constant 272 : index
    %get3A_242 = tpu.vector_load %arg7[%get3A_241] {strides = array<i32>} : memref<512xi32, #tpu.memory_space<vmem>>, vector<16xi32>,
    tpu.vector_store_idx %arg8[%add3A_240], %get3A_242 : memref<1024xi32, #tpu.memory_space<vmem>>[vector<16xi32>], vector<16xi32>,
    %mul3A_243 = arith.constant 2 : i32
    %mul3A_244 = vector.broadcast %mul3A_243 : i32 to vector<16xi32>
    %mul3A_245 = arith.muli %mul3A_244, %iota3A : vector<16xi32>
    %add3A_246 = arith.constant 576 : i32
    %add3A_247 = vector.broadcast %add3A_246 : i32 to vector<16xi32>
    %add3A_248 = arith.addi %add3A_247, %mul3A_245 : vector<16xi32>
    %get3A_249 = arith.constant 288 : index
    %get3A_250 = tpu.vector_load %arg6[%get3A_249] {strides = array<i32>} : memref<512xi32, #tpu.memory_space<vmem>>, vector<16xi32>,
    tpu.vector_store_idx %arg8[%add3A_248], %get3A_250 : memref<1024xi32, #tpu.memory_space<vmem>>[vector<16xi32>], vector<16xi32>,
    %add3A_251 = arith.constant 1 : i32
    %add3A_252 = vector.broadcast %add3A_251 : i32 to vector<16xi32>
    %add3A_253 = arith.addi %add3A_248, %add3A_252 : vector<16xi32>
    %get3A_254 = arith.constant 288 : index
    %get3A_255 = tpu.vector_load %arg7[%get3A_254] {strides = array<i32>} : memref<512xi32, #tpu.memory_space<vmem>>, vector<16xi32>,
    tpu.vector_store_idx %arg8[%add3A_253], %get3A_255 : memref<1024xi32, #tpu.memory_space<vmem>>[vector<16xi32>], vector<16xi32>,
    %mul3A_256 = arith.constant 2 : i32
    %mul3A_257 = vector.broadcast %mul3A_256 : i32 to vector<16xi32>
    %mul3A_258 = arith.muli %mul3A_257, %iota3A : vector<16xi32>
    %add3A_259 = arith.constant 608 : i32
    %add3A_260 = vector.broadcast %add3A_259 : i32 to vector<16xi32>
    %add3A_261 = arith.addi %add3A_260, %mul3A_258 : vector<16xi32>
    %get3A_262 = arith.constant 304 : index
    %get3A_263 = tpu.vector_load %arg6[%get3A_262] {strides = array<i32>} : memref<512xi32, #tpu.memory_space<vmem>>, vector<16xi32>,
    tpu.vector_store_idx %arg8[%add3A_261], %get3A_263 : memref<1024xi32, #tpu.memory_space<vmem>>[vector<16xi32>], vector<16xi32>,
    %add3A_264 = arith.constant 1 : i32
    %add3A_265 = vector.broadcast %add3A_264 : i32 to vector<16xi32>
    %add3A_266 = arith.addi %add3A_261, %add3A_265 : vector<16xi32>
    %get3A_267 = arith.constant 304 : index
    %get3A_268 = tpu.vector_load %arg7[%get3A_267] {strides = array<i32>} : memref<512xi32, #tpu.memory_space<vmem>>, vector<16xi32>,
    tpu.vector_store_idx %arg8[%add3A_266], %get3A_268 : memref<1024xi32, #tpu.memory_space<vmem>>[vector<16xi32>], vector<16xi32>,
    %mul3A_269 = arith.constant 2 : i32
    %mul3A_270 = vector.broadcast %mul3A_269 : i32 to vector<16xi32>
    %mul3A_271 = arith.muli %mul3A_270, %iota3A : vector<16xi32>
    %add3A_272 = arith.constant 640 : i32
    %add3A_273 = vector.broadcast %add3A_272 : i32 to vector<16xi32>
    %add3A_274 = arith.addi %add3A_273, %mul3A_271 : vector<16xi32>
    %get3A_275 = arith.constant 320 : index
    %get3A_276 = tpu.vector_load %arg6[%get3A_275] {strides = array<i32>} : memref<512xi32, #tpu.memory_space<vmem>>, vector<16xi32>,
    tpu.vector_store_idx %arg8[%add3A_274], %get3A_276 : memref<1024xi32, #tpu.memory_space<vmem>>[vector<16xi32>], vector<16xi32>,
    %add3A_277 = arith.constant 1 : i32
    %add3A_278 = vector.broadcast %add3A_277 : i32 to vector<16xi32>
    %add3A_279 = arith.addi %add3A_274, %add3A_278 : vector<16xi32>
    %get3A_280 = arith.constant 320 : index
    %get3A_281 = tpu.vector_load %arg7[%get3A_280] {strides = array<i32>} : memref<512xi32, #tpu.memory_space<vmem>>, vector<16xi32>,
    tpu.vector_store_idx %arg8[%add3A_279], %get3A_281 : memref<1024xi32, #tpu.memory_space<vmem>>[vector<16xi32>], vector<16xi32>,
    %mul3A_282 = arith.constant 2 : i32
    %mul3A_283 = vector.broadcast %mul3A_282 : i32 to vector<16xi32>
    %mul3A_284 = arith.muli %mul3A_283, %iota3A : vector<16xi32>
    %add3A_285 = arith.constant 672 : i32
    %add3A_286 = vector.broadcast %add3A_285 : i32 to vector<16xi32>
    %add3A_287 = arith.addi %add3A_286, %mul3A_284 : vector<16xi32>
    %get3A_288 = arith.constant 336 : index
    %get3A_289 = tpu.vector_load %arg6[%get3A_288] {strides = array<i32>} : memref<512xi32, #tpu.memory_space<vmem>>, vector<16xi32>,
    tpu.vector_store_idx %arg8[%add3A_287], %get3A_289 : memref<1024xi32, #tpu.memory_space<vmem>>[vector<16xi32>], vector<16xi32>,
    %add3A_290 = arith.constant 1 : i32
    %add3A_291 = vector.broadcast %add3A_290 : i32 to vector<16xi32>
    %add3A_292 = arith.addi %add3A_287, %add3A_291 : vector<16xi32>
    %get3A_293 = arith.constant 336 : index
    %get3A_294 = tpu.vector_load %arg7[%get3A_293] {strides = array<i32>} : memref<512xi32, #tpu.memory_space<vmem>>, vector<16xi32>,
    tpu.vector_store_idx %arg8[%add3A_292], %get3A_294 : memref<1024xi32, #tpu.memory_space<vmem>>[vector<16xi32>], vector<16xi32>,
    %mul3A_295 = arith.constant 2 : i32
    %mul3A_296 = vector.broadcast %mul3A_295 : i32 to vector<16xi32>
    %mul3A_297 = arith.muli %mul3A_296, %iota3A : vector<16xi32>
    %add3A_298 = arith.constant 704 : i32
    %add3A_299 = vector.broadcast %add3A_298 : i32 to vector<16xi32>
    %add3A_300 = arith.addi %add3A_299, %mul3A_297 : vector<16xi32>
    %get3A_301 = arith.constant 352 : index
    %get3A_302 = tpu.vector_load %arg6[%get3A_301] {strides = array<i32>} : memref<512xi32, #tpu.memory_space<vmem>>, vector<16xi32>,
    tpu.vector_store_idx %arg8[%add3A_300], %get3A_302 : memref<1024xi32, #tpu.memory_space<vmem>>[vector<16xi32>], vector<16xi32>,
    %add3A_303 = arith.constant 1 : i32
    %add3A_304 = vector.broadcast %add3A_303 : i32 to vector<16xi32>
    %add3A_305 = arith.addi %add3A_300, %add3A_304 : vector<16xi32>
    %get3A_306 = arith.constant 352 : index
    %get3A_307 = tpu.vector_load %arg7[%get3A_306] {strides = array<i32>} : memref<512xi32, #tpu.memory_space<vmem>>, vector<16xi32>,
    tpu.vector_store_idx %arg8[%add3A_305], %get3A_307 : memref<1024xi32, #tpu.memory_space<vmem>>[vector<16xi32>], vector<16xi32>,
    %mul3A_308 = arith.constant 2 : i32
    %mul3A_309 = vector.broadcast %mul3A_308 : i32 to vector<16xi32>
    %mul3A_310 = arith.muli %mul3A_309, %iota3A : vector<16xi32>
    %add3A_311 = arith.constant 736 : i32
    %add3A_312 = vector.broadcast %add3A_311 : i32 to vector<16xi32>
    %add3A_313 = arith.addi %add3A_312, %mul3A_310 : vector<16xi32>
    %get3A_314 = arith.constant 368 : index
    %get3A_315 = tpu.vector_load %arg6[%get3A_314] {strides = array<i32>} : memref<512xi32, #tpu.memory_space<vmem>>, vector<16xi32>,
    tpu.vector_store_idx %arg8[%add3A_313], %get3A_315 : memref<1024xi32, #tpu.memory_space<vmem>>[vector<16xi32>], vector<16xi32>,
    %add3A_316 = arith.constant 1 : i32
    %add3A_317 = vector.broadcast %add3A_316 : i32 to vector<16xi32>
    %add3A_318 = arith.addi %add3A_313, %add3A_317 : vector<16xi32>
    %get3A_319 = arith.constant 368 : index
    %get3A_320 = tpu.vector_load %arg7[%get3A_319] {strides = array<i32>} : memref<512xi32, #tpu.memory_space<vmem>>, vector<16xi32>,
    tpu.vector_store_idx %arg8[%add3A_318], %get3A_320 : memref<1024xi32, #tpu.memory_space<vmem>>[vector<16xi32>], vector<16xi32>,
    %mul3A_321 = arith.constant 2 : i32
    %mul3A_322 = vector.broadcast %mul3A_321 : i32 to vector<16xi32>
    %mul3A_323 = arith.muli %mul3A_322, %iota3A : vector<16xi32>
    %add3A_324 = arith.constant 768 : i32
    %add3A_325 = vector.broadcast %add3A_324 : i32 to vector<16xi32>
    %add3A_326 = arith.addi %add3A_325, %mul3A_323 : vector<16xi32>
    %get3A_327 = arith.constant 384 : index
    %get3A_328 = tpu.vector_load %arg6[%get3A_327] {strides = array<i32>} : memref<512xi32, #tpu.memory_space<vmem>>, vector<16xi32>,
    tpu.vector_store_idx %arg8[%add3A_326], %get3A_328 : memref<1024xi32, #tpu.memory_space<vmem>>[vector<16xi32>], vector<16xi32>,
    %add3A_329 = arith.constant 1 : i32
    %add3A_330 = vector.broadcast %add3A_329 : i32 to vector<16xi32>
    %add3A_331 = arith.addi %add3A_326, %add3A_330 : vector<16xi32>
    %get3A_332 = arith.constant 384 : index
    %get3A_333 = tpu.vector_load %arg7[%get3A_332] {strides = array<i32>} : memref<512xi32, #tpu.memory_space<vmem>>, vector<16xi32>,
    tpu.vector_store_idx %arg8[%add3A_331], %get3A_333 : memref<1024xi32, #tpu.memory_space<vmem>>[vector<16xi32>], vector<16xi32>,
    %mul3A_334 = arith.constant 2 : i32
    %mul3A_335 = vector.broadcast %mul3A_334 : i32 to vector<16xi32>
    %mul3A_336 = arith.muli %mul3A_335, %iota3A : vector<16xi32>
    %add3A_337 = arith.constant 800 : i32
    %add3A_338 = vector.broadcast %add3A_337 : i32 to vector<16xi32>
    %add3A_339 = arith.addi %add3A_338, %mul3A_336 : vector<16xi32>
    %get3A_340 = arith.constant 400 : index
    %get3A_341 = tpu.vector_load %arg6[%get3A_340] {strides = array<i32>} : memref<512xi32, #tpu.memory_space<vmem>>, vector<16xi32>,
    tpu.vector_store_idx %arg8[%add3A_339], %get3A_341 : memref<1024xi32, #tpu.memory_space<vmem>>[vector<16xi32>], vector<16xi32>,
    %add3A_342 = arith.constant 1 : i32
    %add3A_343 = vector.broadcast %add3A_342 : i32 to vector<16xi32>
    %add3A_344 = arith.addi %add3A_339, %add3A_343 : vector<16xi32>
    %get3A_345 = arith.constant 400 : index
    %get3A_346 = tpu.vector_load %arg7[%get3A_345] {strides = array<i32>} : memref<512xi32, #tpu.memory_space<vmem>>, vector<16xi32>,
    tpu.vector_store_idx %arg8[%add3A_344], %get3A_346 : memref<1024xi32, #tpu.memory_space<vmem>>[vector<16xi32>], vector<16xi32>,
    %mul3A_347 = arith.constant 2 : i32
    %mul3A_348 = vector.broadcast %mul3A_347 : i32 to vector<16xi32>
    %mul3A_349 = arith.muli %mul3A_348, %iota3A : vector<16xi32>
    %add3A_350 = arith.constant 832 : i32
    %add3A_351 = vector.broadcast %add3A_350 : i32 to vector<16xi32>
    %add3A_352 = arith.addi %add3A_351, %mul3A_349 : vector<16xi32>
    %get3A_353 = arith.constant 416 : index
    %get3A_354 = tpu.vector_load %arg6[%get3A_353] {strides = array<i32>} : memref<512xi32, #tpu.memory_space<vmem>>, vector<16xi32>,
    tpu.vector_store_idx %arg8[%add3A_352], %get3A_354 : memref<1024xi32, #tpu.memory_space<vmem>>[vector<16xi32>], vector<16xi32>,
    %add3A_355 = arith.constant 1 : i32
    %add3A_356 = vector.broadcast %add3A_355 : i32 to vector<16xi32>
    %add3A_357 = arith.addi %add3A_352, %add3A_356 : vector<16xi32>
    %get3A_358 = arith.constant 416 : index
    %get3A_359 = tpu.vector_load %arg7[%get3A_358] {strides = array<i32>} : memref<512xi32, #tpu.memory_space<vmem>>, vector<16xi32>,
    tpu.vector_store_idx %arg8[%add3A_357], %get3A_359 : memref<1024xi32, #tpu.memory_space<vmem>>[vector<16xi32>], vector<16xi32>,
    %mul3A_360 = arith.constant 2 : i32
    %mul3A_361 = vector.broadcast %mul3A_360 : i32 to vector<16xi32>
    %mul3A_362 = arith.muli %mul3A_361, %iota3A : vector<16xi32>
    %add3A_363 = arith.constant 864 : i32
    %add3A_364 = vector.broadcast %add3A_363 : i32 to vector<16xi32>
    %add3A_365 = arith.addi %add3A_364, %mul3A_362 : vector<16xi32>
    %get3A_366 = arith.constant 432 : index
    %get3A_367 = tpu.vector_load %arg6[%get3A_366] {strides = array<i32>} : memref<512xi32, #tpu.memory_space<vmem>>, vector<16xi32>,
    tpu.vector_store_idx %arg8[%add3A_365], %get3A_367 : memref<1024xi32, #tpu.memory_space<vmem>>[vector<16xi32>], vector<16xi32>,
    %add3A_368 = arith.constant 1 : i32
    %add3A_369 = vector.broadcast %add3A_368 : i32 to vector<16xi32>
    %add3A_370 = arith.addi %add3A_365, %add3A_369 : vector<16xi32>
    %get3A_371 = arith.constant 432 : index
    %get3A_372 = tpu.vector_load %arg7[%get3A_371] {strides = array<i32>} : memref<512xi32, #tpu.memory_space<vmem>>, vector<16xi32>,
    tpu.vector_store_idx %arg8[%add3A_370], %get3A_372 : memref<1024xi32, #tpu.memory_space<vmem>>[vector<16xi32>], vector<16xi32>,
    %mul3A_373 = arith.constant 2 : i32
    %mul3A_374 = vector.broadcast %mul3A_373 : i32 to vector<16xi32>
    %mul3A_375 = arith.muli %mul3A_374, %iota3A : vector<16xi32>
    %add3A_376 = arith.constant 896 : i32
    %add3A_377 = vector.broadcast %add3A_376 : i32 to vector<16xi32>
    %add3A_378 = arith.addi %add3A_377, %mul3A_375 : vector<16xi32>
    %get3A_379 = arith.constant 448 : index
    %get3A_380 = tpu.vector_load %arg6[%get3A_379] {strides = array<i32>} : memref<512xi32, #tpu.memory_space<vmem>>, vector<16xi32>,
    tpu.vector_store_idx %arg8[%add3A_378], %get3A_380 : memref<1024xi32, #tpu.memory_space<vmem>>[vector<16xi32>], vector<16xi32>,
    %add3A_381 = arith.constant 1 : i32
    %add3A_382 = vector.broadcast %add3A_381 : i32 to vector<16xi32>
    %add3A_383 = arith.addi %add3A_378, %add3A_382 : vector<16xi32>
    %get3A_384 = arith.constant 448 : index
    %get3A_385 = tpu.vector_load %arg7[%get3A_384] {strides = array<i32>} : memref<512xi32, #tpu.memory_space<vmem>>, vector<16xi32>,
    tpu.vector_store_idx %arg8[%add3A_383], %get3A_385 : memref<1024xi32, #tpu.memory_space<vmem>>[vector<16xi32>], vector<16xi32>,
    %mul3A_386 = arith.constant 2 : i32
    %mul3A_387 = vector.broadcast %mul3A_386 : i32 to vector<16xi32>
    %mul3A_388 = arith.muli %mul3A_387, %iota3A : vector<16xi32>
    %add3A_389 = arith.constant 928 : i32
    %add3A_390 = vector.broadcast %add3A_389 : i32 to vector<16xi32>
    %add3A_391 = arith.addi %add3A_390, %mul3A_388 : vector<16xi32>
    %get3A_392 = arith.constant 464 : index
    %get3A_393 = tpu.vector_load %arg6[%get3A_392] {strides = array<i32>} : memref<512xi32, #tpu.memory_space<vmem>>, vector<16xi32>,
    tpu.vector_store_idx %arg8[%add3A_391], %get3A_393 : memref<1024xi32, #tpu.memory_space<vmem>>[vector<16xi32>], vector<16xi32>,
    %add3A_394 = arith.constant 1 : i32
    %add3A_395 = vector.broadcast %add3A_394 : i32 to vector<16xi32>
    %add3A_396 = arith.addi %add3A_391, %add3A_395 : vector<16xi32>
    %get3A_397 = arith.constant 464 : index
    %get3A_398 = tpu.vector_load %arg7[%get3A_397] {strides = array<i32>} : memref<512xi32, #tpu.memory_space<vmem>>, vector<16xi32>,
    tpu.vector_store_idx %arg8[%add3A_396], %get3A_398 : memref<1024xi32, #tpu.memory_space<vmem>>[vector<16xi32>], vector<16xi32>,
    %mul3A_399 = arith.constant 2 : i32
    %mul3A_400 = vector.broadcast %mul3A_399 : i32 to vector<16xi32>
    %mul3A_401 = arith.muli %mul3A_400, %iota3A : vector<16xi32>
    %add3A_402 = arith.constant 960 : i32
    %add3A_403 = vector.broadcast %add3A_402 : i32 to vector<16xi32>
    %add3A_404 = arith.addi %add3A_403, %mul3A_401 : vector<16xi32>
    %get3A_405 = arith.constant 480 : index
    %get3A_406 = tpu.vector_load %arg6[%get3A_405] {strides = array<i32>} : memref<512xi32, #tpu.memory_space<vmem>>, vector<16xi32>,
    tpu.vector_store_idx %arg8[%add3A_404], %get3A_406 : memref<1024xi32, #tpu.memory_space<vmem>>[vector<16xi32>], vector<16xi32>,
    %add3A_407 = arith.constant 1 : i32
    %add3A_408 = vector.broadcast %add3A_407 : i32 to vector<16xi32>
    %add3A_409 = arith.addi %add3A_404, %add3A_408 : vector<16xi32>
    %get3A_410 = arith.constant 480 : index
    %get3A_411 = tpu.vector_load %arg7[%get3A_410] {strides = array<i32>} : memref<512xi32, #tpu.memory_space<vmem>>, vector<16xi32>,
    tpu.vector_store_idx %arg8[%add3A_409], %get3A_411 : memref<1024xi32, #tpu.memory_space<vmem>>[vector<16xi32>], vector<16xi32>,
    %mul3A_412 = arith.constant 2 : i32
    %mul3A_413 = vector.broadcast %mul3A_412 : i32 to vector<16xi32>
    %mul3A_414 = arith.muli %mul3A_413, %iota3A : vector<16xi32>
    %add3A_415 = arith.constant 992 : i32
    %add3A_416 = vector.broadcast %add3A_415 : i32 to vector<16xi32>
    %add3A_417 = arith.addi %add3A_416, %mul3A_414 : vector<16xi32>
    %get3A_418 = arith.constant 496 : index
    %get3A_419 = tpu.vector_load %arg6[%get3A_418] {strides = array<i32>} : memref<512xi32, #tpu.memory_space<vmem>>, vector<16xi32>,
    tpu.vector_store_idx %arg8[%add3A_417], %get3A_419 : memref<1024xi32, #tpu.memory_space<vmem>>[vector<16xi32>], vector<16xi32>,
    %add3A_420 = arith.constant 1 : i32
    %add3A_421 = vector.broadcast %add3A_420 : i32 to vector<16xi32>
    %add3A_422 = arith.addi %add3A_417, %add3A_421 : vector<16xi32>
    %get3A_423 = arith.constant 496 : index
    %get3A_424 = tpu.vector_load %arg7[%get3A_423] {strides = array<i32>} : memref<512xi32, #tpu.memory_space<vmem>>, vector<16xi32>,
    tpu.vector_store_idx %arg8[%add3A_422], %get3A_424 : memref<1024xi32, #tpu.memory_space<vmem>>[vector<16xi32>], vector<16xi32>,
    %dma_wait3A = arith.constant 0 : i32
    %dma_wait3A_425 = tpu.memref_slice %arg10[%mul3A_6, %dma_wait3A] : memref<2000x64xf32, #tpu.memory_space<vmem_shared>> -> memref<125x64xf32, #tpu.memory_space<vmem_shared>>
    %dma_wait3A_426 = arith.constant 0 : i32
    %dma_wait3A_427 = tpu.memref_slice %arg2[%mul3A_4, %dma_wait3A_426] : memref<2000x64xf32, #tpu.memory_space<hbm>> -> memref<125x64xf32, #tpu.memory_space<hbm>>
    tpu.wait_dma2 semaphore(%arg12 : memref<!tpu.dma_semaphore, #tpu.memory_space<semaphore_mem>>) src(%dma_wait3A_427 : memref<125x64xf32, #tpu.memory_space<hbm>>) dst(%dma_wait3A_425 : memref<125x64xf32, #tpu.memory_space<vmem_shared>>)
    %barrier3A = arith.constant 0 : index
    tpu.barrier barrier_id(%barrier3A)
    %dma_start3A_428 = arith.constant 0 : i32
    %dma_start3A_429 = arith.constant 0 : i32
    %dma_start3A_430 = tpu.memref_slice %arg9[%dma_start3A_428, %dma_start3A_429] : memref<1024x64xf32, #tpu.memory_space<vmem>> -> memref<128x64xf32, #tpu.memory_space<vmem>>
    %dma_start3A_431 = arith.constant 0 : i32
    %dma_start3A_432 = tpu.memref_slice %arg8[%dma_start3A_431] : memref<1024xi32, #tpu.memory_space<vmem>> -> memref<128xi32, #tpu.memory_space<vmem>>
    %dma_start3A_433 = arith.constant 0 : i32
    %dma_start3A_434 = arith.constant 0 : i32
    %dma_start3A_435 = tpu.memref_slice %arg10[%dma_start3A_433, %dma_start3A_434] : memref<2000x64xf32, #tpu.memory_space<vmem_shared>> -> memref<2000x64xf32, #tpu.memory_space<vmem_shared>>
    tpu.enqueue_indirect_dma source(%dma_start3A_435 : memref<2000x64xf32, #tpu.memory_space<vmem_shared>>) target(%dma_start3A_430 : memref<128x64xf32, #tpu.memory_space<vmem>>) offsets(%dma_start3A_432 : memref<128xi32, #tpu.memory_space<vmem>>) semaphore(%arg11 : memref<!tpu.dma_semaphore, #tpu.memory_space<semaphore_mem>>)
    %dma_start3A_436 = arith.constant 128 : i32
    %dma_start3A_437 = arith.constant 0 : i32
    %dma_start3A_438 = tpu.memref_slice %arg9[%dma_start3A_436, %dma_start3A_437] : memref<1024x64xf32, #tpu.memory_space<vmem>> -> memref<128x64xf32, #tpu.memory_space<vmem>>
    %dma_start3A_439 = arith.constant 128 : i32
    %dma_start3A_440 = tpu.memref_slice %arg8[%dma_start3A_439] : memref<1024xi32, #tpu.memory_space<vmem>> -> memref<128xi32, #tpu.memory_space<vmem>>
    %dma_start3A_441 = arith.constant 0 : i32
    %dma_start3A_442 = arith.constant 0 : i32
    %dma_start3A_443 = tpu.memref_slice %arg10[%dma_start3A_441, %dma_start3A_442] : memref<2000x64xf32, #tpu.memory_space<vmem_shared>> -> memref<2000x64xf32, #tpu.memory_space<vmem_shared>>
    tpu.enqueue_indirect_dma source(%dma_start3A_443 : memref<2000x64xf32, #tpu.memory_space<vmem_shared>>) target(%dma_start3A_438 : memref<128x64xf32, #tpu.memory_space<vmem>>) offsets(%dma_start3A_440 : memref<128xi32, #tpu.memory_space<vmem>>) semaphore(%arg11 : memref<!tpu.dma_semaphore, #tpu.memory_space<semaphore_mem>>)
    %dma_start3A_444 = arith.constant 256 : i32
    %dma_start3A_445 = arith.constant 0 : i32
    %dma_start3A_446 = tpu.memref_slice %arg9[%dma_start3A_444, %dma_start3A_445] : memref<1024x64xf32, #tpu.memory_space<vmem>> -> memref<128x64xf32, #tpu.memory_space<vmem>>
    %dma_start3A_447 = arith.constant 256 : i32
    %dma_start3A_448 = tpu.memref_slice %arg8[%dma_start3A_447] : memref<1024xi32, #tpu.memory_space<vmem>> -> memref<128xi32, #tpu.memory_space<vmem>>
    %dma_start3A_449 = arith.constant 0 : i32
    %dma_start3A_450 = arith.constant 0 : i32
    %dma_start3A_451 = tpu.memref_slice %arg10[%dma_start3A_449, %dma_start3A_450] : memref<2000x64xf32, #tpu.memory_space<vmem_shared>> -> memref<2000x64xf32, #tpu.memory_space<vmem_shared>>
    tpu.enqueue_indirect_dma source(%dma_start3A_451 : memref<2000x64xf32, #tpu.memory_space<vmem_shared>>) target(%dma_start3A_446 : memref<128x64xf32, #tpu.memory_space<vmem>>) offsets(%dma_start3A_448 : memref<128xi32, #tpu.memory_space<vmem>>) semaphore(%arg11 : memref<!tpu.dma_semaphore, #tpu.memory_space<semaphore_mem>>)
    %dma_start3A_452 = arith.constant 384 : i32
    %dma_start3A_453 = arith.constant 0 : i32
    %dma_start3A_454 = tpu.memref_slice %arg9[%dma_start3A_452, %dma_start3A_453] : memref<1024x64xf32, #tpu.memory_space<vmem>> -> memref<128x64xf32, #tpu.memory_space<vmem>>
    %dma_start3A_455 = arith.constant 384 : i32
    %dma_start3A_456 = tpu.memref_slice %arg8[%dma_start3A_455] : memref<1024xi32, #tpu.memory_space<vmem>> -> memref<128xi32, #tpu.memory_space<vmem>>
    %dma_start3A_457 = arith.constant 0 : i32
    %dma_start3A_458 = arith.constant 0 : i32
    %dma_start3A_459 = tpu.memref_slice %arg10[%dma_start3A_457, %dma_start3A_458] : memref<2000x64xf32, #tpu.memory_space<vmem_shared>> -> memref<2000x64xf32, #tpu.memory_space<vmem_shared>>
    tpu.enqueue_indirect_dma source(%dma_start3A_459 : memref<2000x64xf32, #tpu.memory_space<vmem_shared>>) target(%dma_start3A_454 : memref<128x64xf32, #tpu.memory_space<vmem>>) offsets(%dma_start3A_456 : memref<128xi32, #tpu.memory_space<vmem>>) semaphore(%arg11 : memref<!tpu.dma_semaphore, #tpu.memory_space<semaphore_mem>>)
    %dma_start3A_460 = arith.constant 512 : i32
    %dma_start3A_461 = arith.constant 0 : i32
    %dma_start3A_462 = tpu.memref_slice %arg9[%dma_start3A_460, %dma_start3A_461] : memref<1024x64xf32, #tpu.memory_space<vmem>> -> memref<128x64xf32, #tpu.memory_space<vmem>>
    %dma_start3A_463 = arith.constant 512 : i32
    %dma_start3A_464 = tpu.memref_slice %arg8[%dma_start3A_463] : memref<1024xi32, #tpu.memory_space<vmem>> -> memref<128xi32, #tpu.memory_space<vmem>>
    %dma_start3A_465 = arith.constant 0 : i32
    %dma_start3A_466 = arith.constant 0 : i32
    %dma_start3A_467 = tpu.memref_slice %arg10[%dma_start3A_465, %dma_start3A_466] : memref<2000x64xf32, #tpu.memory_space<vmem_shared>> -> memref<2000x64xf32, #tpu.memory_space<vmem_shared>>
    tpu.enqueue_indirect_dma source(%dma_start3A_467 : memref<2000x64xf32, #tpu.memory_space<vmem_shared>>) target(%dma_start3A_462 : memref<128x64xf32, #tpu.memory_space<vmem>>) offsets(%dma_start3A_464 : memref<128xi32, #tpu.memory_space<vmem>>) semaphore(%arg11 : memref<!tpu.dma_semaphore, #tpu.memory_space<semaphore_mem>>)
    %dma_start3A_468 = arith.constant 640 : i32
    %dma_start3A_469 = arith.constant 0 : i32
    %dma_start3A_470 = tpu.memref_slice %arg9[%dma_start3A_468, %dma_start3A_469] : memref<1024x64xf32, #tpu.memory_space<vmem>> -> memref<128x64xf32, #tpu.memory_space<vmem>>
    %dma_start3A_471 = arith.constant 640 : i32
    %dma_start3A_472 = tpu.memref_slice %arg8[%dma_start3A_471] : memref<1024xi32, #tpu.memory_space<vmem>> -> memref<128xi32, #tpu.memory_space<vmem>>
    %dma_start3A_473 = arith.constant 0 : i32
    %dma_start3A_474 = arith.constant 0 : i32
    %dma_start3A_475 = tpu.memref_slice %arg10[%dma_start3A_473, %dma_start3A_474] : memref<2000x64xf32, #tpu.memory_space<vmem_shared>> -> memref<2000x64xf32, #tpu.memory_space<vmem_shared>>
    tpu.enqueue_indirect_dma source(%dma_start3A_475 : memref<2000x64xf32, #tpu.memory_space<vmem_shared>>) target(%dma_start3A_470 : memref<128x64xf32, #tpu.memory_space<vmem>>) offsets(%dma_start3A_472 : memref<128xi32, #tpu.memory_space<vmem>>) semaphore(%arg11 : memref<!tpu.dma_semaphore, #tpu.memory_space<semaphore_mem>>)
    %dma_start3A_476 = arith.constant 768 : i32
    %dma_start3A_477 = arith.constant 0 : i32
    %dma_start3A_478 = tpu.memref_slice %arg9[%dma_start3A_476, %dma_start3A_477] : memref<1024x64xf32, #tpu.memory_space<vmem>> -> memref<128x64xf32, #tpu.memory_space<vmem>>
    %dma_start3A_479 = arith.constant 768 : i32
    %dma_start3A_480 = tpu.memref_slice %arg8[%dma_start3A_479] : memref<1024xi32, #tpu.memory_space<vmem>> -> memref<128xi32, #tpu.memory_space<vmem>>
    %dma_start3A_481 = arith.constant 0 : i32
    %dma_start3A_482 = arith.constant 0 : i32
    %dma_start3A_483 = tpu.memref_slice %arg10[%dma_start3A_481, %dma_start3A_482] : memref<2000x64xf32, #tpu.memory_space<vmem_shared>> -> memref<2000x64xf32, #tpu.memory_space<vmem_shared>>
    tpu.enqueue_indirect_dma source(%dma_start3A_483 : memref<2000x64xf32, #tpu.memory_space<vmem_shared>>) target(%dma_start3A_478 : memref<128x64xf32, #tpu.memory_space<vmem>>) offsets(%dma_start3A_480 : memref<128xi32, #tpu.memory_space<vmem>>) semaphore(%arg11 : memref<!tpu.dma_semaphore, #tpu.memory_space<semaphore_mem>>)
    %dma_start3A_484 = arith.constant 896 : i32
    %dma_start3A_485 = arith.constant 0 : i32
    %dma_start3A_486 = tpu.memref_slice %arg9[%dma_start3A_484, %dma_start3A_485] : memref<1024x64xf32, #tpu.memory_space<vmem>> -> memref<128x64xf32, #tpu.memory_space<vmem>>
    %dma_start3A_487 = arith.constant 896 : i32
    %dma_start3A_488 = tpu.memref_slice %arg8[%dma_start3A_487] : memref<1024xi32, #tpu.memory_space<vmem>> -> memref<128xi32, #tpu.memory_space<vmem>>
    %dma_start3A_489 = arith.constant 0 : i32
    %dma_start3A_490 = arith.constant 0 : i32
    %dma_start3A_491 = tpu.memref_slice %arg10[%dma_start3A_489, %dma_start3A_490] : memref<2000x64xf32, #tpu.memory_space<vmem_shared>> -> memref<2000x64xf32, #tpu.memory_space<vmem_shared>>
    tpu.enqueue_indirect_dma source(%dma_start3A_491 : memref<2000x64xf32, #tpu.memory_space<vmem_shared>>) target(%dma_start3A_486 : memref<128x64xf32, #tpu.memory_space<vmem>>) offsets(%dma_start3A_488 : memref<128xi32, #tpu.memory_space<vmem>>) semaphore(%arg11 : memref<!tpu.dma_semaphore, #tpu.memory_space<semaphore_mem>>)
    %dma_wait3A_492 = arith.constant 0 : i32
    %dma_wait3A_493 = arith.constant 0 : i32
    %dma_wait3A_494 = tpu.memref_slice %arg9[%dma_wait3A_492, %dma_wait3A_493] : memref<1024x64xf32, #tpu.memory_space<vmem>> -> memref<128x64xf32, #tpu.memory_space<vmem>>
    %dma_wait3A_495 = arith.constant 0 : i32
    %dma_wait3A_496 = tpu.memref_slice %arg8[%dma_wait3A_495] : memref<1024xi32, #tpu.memory_space<vmem>> -> memref<128xi32, #tpu.memory_space<vmem>>
    %dma_wait3A_497 = arith.constant 0 : i32
    %dma_wait3A_498 = arith.constant 0 : i32
    %dma_wait3A_499 = tpu.memref_slice %arg10[%dma_wait3A_497, %dma_wait3A_498] : memref<2000x64xf32, #tpu.memory_space<vmem_shared>> -> memref<2000x64xf32, #tpu.memory_space<vmem_shared>>
    tpu.wait_indirect_dma semaphore(%arg11 : memref<!tpu.dma_semaphore, #tpu.memory_space<semaphore_mem>>) src(%dma_wait3A_499 : memref<2000x64xf32, #tpu.memory_space<vmem_shared>>) dst(%dma_wait3A_494 : memref<128x64xf32, #tpu.memory_space<vmem>>)
    %dma_wait3A_500 = arith.constant 128 : i32
    %dma_wait3A_501 = arith.constant 0 : i32
    %dma_wait3A_502 = tpu.memref_slice %arg9[%dma_wait3A_500, %dma_wait3A_501] : memref<1024x64xf32, #tpu.memory_space<vmem>> -> memref<128x64xf32, #tpu.memory_space<vmem>>
    %dma_wait3A_503 = arith.constant 128 : i32
    %dma_wait3A_504 = tpu.memref_slice %arg8[%dma_wait3A_503] : memref<1024xi32, #tpu.memory_space<vmem>> -> memref<128xi32, #tpu.memory_space<vmem>>
    %dma_wait3A_505 = arith.constant 0 : i32
    %dma_wait3A_506 = arith.constant 0 : i32
    %dma_wait3A_507 = tpu.memref_slice %arg10[%dma_wait3A_505, %dma_wait3A_506] : memref<2000x64xf32, #tpu.memory_space<vmem_shared>> -> memref<2000x64xf32, #tpu.memory_space<vmem_shared>>
    tpu.wait_indirect_dma semaphore(%arg11 : memref<!tpu.dma_semaphore, #tpu.memory_space<semaphore_mem>>) src(%dma_wait3A_507 : memref<2000x64xf32, #tpu.memory_space<vmem_shared>>) dst(%dma_wait3A_502 : memref<128x64xf32, #tpu.memory_space<vmem>>)
    %dma_wait3A_508 = arith.constant 256 : i32
    %dma_wait3A_509 = arith.constant 0 : i32
    %dma_wait3A_510 = tpu.memref_slice %arg9[%dma_wait3A_508, %dma_wait3A_509] : memref<1024x64xf32, #tpu.memory_space<vmem>> -> memref<128x64xf32, #tpu.memory_space<vmem>>
    %dma_wait3A_511 = arith.constant 256 : i32
    %dma_wait3A_512 = tpu.memref_slice %arg8[%dma_wait3A_511] : memref<1024xi32, #tpu.memory_space<vmem>> -> memref<128xi32, #tpu.memory_space<vmem>>
    %dma_wait3A_513 = arith.constant 0 : i32
    %dma_wait3A_514 = arith.constant 0 : i32
    %dma_wait3A_515 = tpu.memref_slice %arg10[%dma_wait3A_513, %dma_wait3A_514] : memref<2000x64xf32, #tpu.memory_space<vmem_shared>> -> memref<2000x64xf32, #tpu.memory_space<vmem_shared>>
    tpu.wait_indirect_dma semaphore(%arg11 : memref<!tpu.dma_semaphore, #tpu.memory_space<semaphore_mem>>) src(%dma_wait3A_515 : memref<2000x64xf32, #tpu.memory_space<vmem_shared>>) dst(%dma_wait3A_510 : memref<128x64xf32, #tpu.memory_space<vmem>>)
    %dma_wait3A_516 = arith.constant 384 : i32
    %dma_wait3A_517 = arith.constant 0 : i32
    %dma_wait3A_518 = tpu.memref_slice %arg9[%dma_wait3A_516, %dma_wait3A_517] : memref<1024x64xf32, #tpu.memory_space<vmem>> -> memref<128x64xf32, #tpu.memory_space<vmem>>
    %dma_wait3A_519 = arith.constant 384 : i32
    %dma_wait3A_520 = tpu.memref_slice %arg8[%dma_wait3A_519] : memref<1024xi32, #tpu.memory_space<vmem>> -> memref<128xi32, #tpu.memory_space<vmem>>
    %dma_wait3A_521 = arith.constant 0 : i32
    %dma_wait3A_522 = arith.constant 0 : i32
    %dma_wait3A_523 = tpu.memref_slice %arg10[%dma_wait3A_521, %dma_wait3A_522] : memref<2000x64xf32, #tpu.memory_space<vmem_shared>> -> memref<2000x64xf32, #tpu.memory_space<vmem_shared>>
    tpu.wait_indirect_dma semaphore(%arg11 : memref<!tpu.dma_semaphore, #tpu.memory_space<semaphore_mem>>) src(%dma_wait3A_523 : memref<2000x64xf32, #tpu.memory_space<vmem_shared>>) dst(%dma_wait3A_518 : memref<128x64xf32, #tpu.memory_space<vmem>>)
    %mul3A_524 = arith.constant 2 : i32
    %mul3A_525 = arith.muli %mul3A_524, %mul3A_2 : i32
    %dma_start3A_526 = arith.constant 0 : i32
    %dma_start3A_527 = arith.constant 0 : i32
    %dma_start3A_528 = tpu.memref_slice %arg9[%dma_start3A_526, %dma_start3A_527] : memref<1024x64xf32, #tpu.memory_space<vmem>> -> memref<512x64xf32, #tpu.memory_space<vmem>>
    %dma_start3A_529 = arith.constant 0 : i32
    %dma_start3A_530 = tpu.memref_slice %arg5[%mul3A_525, %dma_start3A_529] : memref<32768x64xf32, #tpu.memory_space<hbm>> -> memref<512x64xf32, #tpu.memory_space<hbm>>
    %dma_start3A_531 = arith.constant 0 : i32
    %dma_start3A_532 = tpu.memref_slice %arg5[%mul3A_525, %dma_start3A_531] : memref<32768x64xf32, #tpu.memory_space<hbm>> -> memref<512x64xf32, #tpu.memory_space<hbm>>
    %dma_start3A_533 = arith.constant 0 : i32
    %dma_start3A_534 = arith.constant 0 : i32
    %dma_start3A_535 = tpu.memref_slice %arg9[%dma_start3A_533, %dma_start3A_534] : memref<1024x64xf32, #tpu.memory_space<vmem>> -> memref<512x64xf32, #tpu.memory_space<vmem>>
    tpu.enqueue_dma source(%dma_start3A_535 : memref<512x64xf32, #tpu.memory_space<vmem>>) target(%dma_start3A_532 : memref<512x64xf32, #tpu.memory_space<hbm>>) target_semaphore(%arg12 : memref<!tpu.dma_semaphore, #tpu.memory_space<semaphore_mem>>)
    %dma_wait3A_536 = arith.constant 512 : i32
    %dma_wait3A_537 = arith.constant 0 : i32
    %dma_wait3A_538 = tpu.memref_slice %arg9[%dma_wait3A_536, %dma_wait3A_537] : memref<1024x64xf32, #tpu.memory_space<vmem>> -> memref<128x64xf32, #tpu.memory_space<vmem>>
    %dma_wait3A_539 = arith.constant 512 : i32
    %dma_wait3A_540 = tpu.memref_slice %arg8[%dma_wait3A_539] : memref<1024xi32, #tpu.memory_space<vmem>> -> memref<128xi32, #tpu.memory_space<vmem>>
    %dma_wait3A_541 = arith.constant 0 : i32
    %dma_wait3A_542 = arith.constant 0 : i32
    %dma_wait3A_543 = tpu.memref_slice %arg10[%dma_wait3A_541, %dma_wait3A_542] : memref<2000x64xf32, #tpu.memory_space<vmem_shared>> -> memref<2000x64xf32, #tpu.memory_space<vmem_shared>>
    tpu.wait_indirect_dma semaphore(%arg11 : memref<!tpu.dma_semaphore, #tpu.memory_space<semaphore_mem>>) src(%dma_wait3A_543 : memref<2000x64xf32, #tpu.memory_space<vmem_shared>>) dst(%dma_wait3A_538 : memref<128x64xf32, #tpu.memory_space<vmem>>)
    %dma_wait3A_544 = arith.constant 640 : i32
    %dma_wait3A_545 = arith.constant 0 : i32
    %dma_wait3A_546 = tpu.memref_slice %arg9[%dma_wait3A_544, %dma_wait3A_545] : memref<1024x64xf32, #tpu.memory_space<vmem>> -> memref<128x64xf32, #tpu.memory_space<vmem>>
    %dma_wait3A_547 = arith.constant 640 : i32
    %dma_wait3A_548 = tpu.memref_slice %arg8[%dma_wait3A_547] : memref<1024xi32, #tpu.memory_space<vmem>> -> memref<128xi32, #tpu.memory_space<vmem>>
    %dma_wait3A_549 = arith.constant 0 : i32
    %dma_wait3A_550 = arith.constant 0 : i32
    %dma_wait3A_551 = tpu.memref_slice %arg10[%dma_wait3A_549, %dma_wait3A_550] : memref<2000x64xf32, #tpu.memory_space<vmem_shared>> -> memref<2000x64xf32, #tpu.memory_space<vmem_shared>>
    tpu.wait_indirect_dma semaphore(%arg11 : memref<!tpu.dma_semaphore, #tpu.memory_space<semaphore_mem>>) src(%dma_wait3A_551 : memref<2000x64xf32, #tpu.memory_space<vmem_shared>>) dst(%dma_wait3A_546 : memref<128x64xf32, #tpu.memory_space<vmem>>)
    %dma_wait3A_552 = arith.constant 768 : i32
    %dma_wait3A_553 = arith.constant 0 : i32
    %dma_wait3A_554 = tpu.memref_slice %arg9[%dma_wait3A_552, %dma_wait3A_553] : memref<1024x64xf32, #tpu.memory_space<vmem>> -> memref<128x64xf32, #tpu.memory_space<vmem>>
    %dma_wait3A_555 = arith.constant 768 : i32
    %dma_wait3A_556 = tpu.memref_slice %arg8[%dma_wait3A_555] : memref<1024xi32, #tpu.memory_space<vmem>> -> memref<128xi32, #tpu.memory_space<vmem>>
    %dma_wait3A_557 = arith.constant 0 : i32
    %dma_wait3A_558 = arith.constant 0 : i32
    %dma_wait3A_559 = tpu.memref_slice %arg10[%dma_wait3A_557, %dma_wait3A_558] : memref<2000x64xf32, #tpu.memory_space<vmem_shared>> -> memref<2000x64xf32, #tpu.memory_space<vmem_shared>>
    tpu.wait_indirect_dma semaphore(%arg11 : memref<!tpu.dma_semaphore, #tpu.memory_space<semaphore_mem>>) src(%dma_wait3A_559 : memref<2000x64xf32, #tpu.memory_space<vmem_shared>>) dst(%dma_wait3A_554 : memref<128x64xf32, #tpu.memory_space<vmem>>)
    %dma_wait3A_560 = arith.constant 896 : i32
    %dma_wait3A_561 = arith.constant 0 : i32
    %dma_wait3A_562 = tpu.memref_slice %arg9[%dma_wait3A_560, %dma_wait3A_561] : memref<1024x64xf32, #tpu.memory_space<vmem>> -> memref<128x64xf32, #tpu.memory_space<vmem>>
    %dma_wait3A_563 = arith.constant 896 : i32
    %dma_wait3A_564 = tpu.memref_slice %arg8[%dma_wait3A_563] : memref<1024xi32, #tpu.memory_space<vmem>> -> memref<128xi32, #tpu.memory_space<vmem>>
    %dma_wait3A_565 = arith.constant 0 : i32
    %dma_wait3A_566 = arith.constant 0 : i32
    %dma_wait3A_567 = tpu.memref_slice %arg10[%dma_wait3A_565, %dma_wait3A_566] : memref<2000x64xf32, #tpu.memory_space<vmem_shared>> -> memref<2000x64xf32, #tpu.memory_space<vmem_shared>>
    tpu.wait_indirect_dma semaphore(%arg11 : memref<!tpu.dma_semaphore, #tpu.memory_space<semaphore_mem>>) src(%dma_wait3A_567 : memref<2000x64xf32, #tpu.memory_space<vmem_shared>>) dst(%dma_wait3A_562 : memref<128x64xf32, #tpu.memory_space<vmem>>)
    %dma_wait3A_568 = arith.constant 0 : i32
    %dma_wait3A_569 = arith.constant 0 : i32
    %dma_wait3A_570 = tpu.memref_slice %arg9[%dma_wait3A_568, %dma_wait3A_569] : memref<1024x64xf32, #tpu.memory_space<vmem>> -> memref<512x64xf32, #tpu.memory_space<vmem>>
    %dma_wait3A_571 = arith.constant 0 : i32
    %dma_wait3A_572 = tpu.memref_slice %arg5[%mul3A_525, %dma_wait3A_571] : memref<32768x64xf32, #tpu.memory_space<hbm>> -> memref<512x64xf32, #tpu.memory_space<hbm>>
    %dma_wait3A_573 = arith.constant 0 : i32
    %dma_wait3A_574 = tpu.memref_slice %arg5[%mul3A_525, %dma_wait3A_573] : memref<32768x64xf32, #tpu.memory_space<hbm>> -> memref<512x64xf32, #tpu.memory_space<hbm>>
    %dma_wait3A_575 = arith.constant 0 : i32
    %dma_wait3A_576 = arith.constant 0 : i32
    %dma_wait3A_577 = tpu.memref_slice %arg9[%dma_wait3A_575, %dma_wait3A_576] : memref<1024x64xf32, #tpu.memory_space<vmem>> -> memref<512x64xf32, #tpu.memory_space<vmem>>
    tpu.wait_dma2 semaphore(%arg12 : memref<!tpu.dma_semaphore, #tpu.memory_space<semaphore_mem>>) src(%dma_wait3A_577 : memref<512x64xf32, #tpu.memory_space<vmem>>) dst(%dma_wait3A_574 : memref<512x64xf32, #tpu.memory_space<hbm>>)
    %mul3A_578 = arith.constant 2 : i32
    %mul3A_579 = arith.muli %mul3A_578, %mul3A_2 : i32
    %add3A_580 = arith.constant 512 : i32
    %add3A_581 = arith.addi %mul3A_579, %add3A_580 : i32
    "tpu.region"() ({
      %run_scoped3A = tpu.sem_alloc : memref<!tpu.dma_semaphore, #tpu.memory_space<semaphore_mem>>
      %dma_start3A_582 = arith.constant 512 : i32
      %dma_start3A_583 = arith.constant 0 : i32
      %dma_start3A_584 = tpu.memref_slice %arg9[%dma_start3A_582, %dma_start3A_583] : memref<1024x64xf32, #tpu.memory_space<vmem>> -> memref<512x64xf32, #tpu.memory_space<vmem>>
      %dma_start3A_585 = arith.constant 0 : i32
      %dma_start3A_586 = tpu.memref_slice %arg5[%add3A_581, %dma_start3A_585] : memref<32768x64xf32, #tpu.memory_space<hbm>> -> memref<512x64xf32, #tpu.memory_space<hbm>>
      %dma_start3A_587 = arith.constant 0 : i32
      %dma_start3A_588 = tpu.memref_slice %arg5[%add3A_581, %dma_start3A_587] : memref<32768x64xf32, #tpu.memory_space<hbm>> -> memref<512x64xf32, #tpu.memory_space<hbm>>
      %dma_start3A_589 = arith.constant 512 : i32
      %dma_start3A_590 = arith.constant 0 : i32
      %dma_start3A_591 = tpu.memref_slice %arg9[%dma_start3A_589, %dma_start3A_590] : memref<1024x64xf32, #tpu.memory_space<vmem>> -> memref<512x64xf32, #tpu.memory_space<vmem>>
      tpu.enqueue_dma source(%dma_start3A_591 : memref<512x64xf32, #tpu.memory_space<vmem>>) target(%dma_start3A_588 : memref<512x64xf32, #tpu.memory_space<hbm>>) target_semaphore(%run_scoped3A : memref<!tpu.dma_semaphore, #tpu.memory_space<semaphore_mem>>)
      %dma_wait3A_592 = arith.constant 512 : i32
      %dma_wait3A_593 = arith.constant 0 : i32
      %dma_wait3A_594 = tpu.memref_slice %arg9[%dma_wait3A_592, %dma_wait3A_593] : memref<1024x64xf32, #tpu.memory_space<vmem>> -> memref<512x64xf32, #tpu.memory_space<vmem>>
      %dma_wait3A_595 = arith.constant 0 : i32
      %dma_wait3A_596 = tpu.memref_slice %arg5[%add3A_581, %dma_wait3A_595] : memref<32768x64xf32, #tpu.memory_space<hbm>> -> memref<512x64xf32, #tpu.memory_space<hbm>>
      %dma_wait3A_597 = arith.constant 0 : i32
      %dma_wait3A_598 = tpu.memref_slice %arg5[%add3A_581, %dma_wait3A_597] : memref<32768x64xf32, #tpu.memory_space<hbm>> -> memref<512x64xf32, #tpu.memory_space<hbm>>
      %dma_wait3A_599 = arith.constant 512 : i32
      %dma_wait3A_600 = arith.constant 0 : i32
      %dma_wait3A_601 = tpu.memref_slice %arg9[%dma_wait3A_599, %dma_wait3A_600] : memref<1024x64xf32, #tpu.memory_space<vmem>> -> memref<512x64xf32, #tpu.memory_space<vmem>>
      tpu.wait_dma2 semaphore(%run_scoped3A : memref<!tpu.dma_semaphore, #tpu.memory_space<semaphore_mem>>) src(%dma_wait3A_601 : memref<512x64xf32, #tpu.memory_space<vmem>>) dst(%dma_wait3A_598 : memref<512x64xf32, #tpu.memory_space<hbm>>)
      tpu.yield
    }) : () -> ()
    return
  }
}

module attributes {stable_mosaic.version = 14 : i64} {
  func.func @_tc_post(%arg0: memref<16384x128xf32, #tpu.memory_space<hbm>>, %arg1: memref<2x64x16384xf32, #tpu.memory_space<hbm>>, %arg2: memref<2x4096x128xf32, #tpu.memory_space<vmem>>, %arg3: memref<2x128x4096xf32, #tpu.memory_space<vmem>>, %arg4: memref<2x!tpu.dma_semaphore, #tpu.memory_space<semaphore_mem>>, %arg5: memref<2x!tpu.dma_semaphore, #tpu.memory_space<semaphore_mem>>) attributes {dimension_semantics = [], scalar_prefetch = 0 : i64, scratch_operands = 4 : i64, tpu.core_type = #tpu.core_type<tc>} {
    %dma_start3A = arith.constant 0 : i32
    %dma_start3A_0 = arith.constant 0 : i32
    %dma_start3A_1 = tpu.memref_slice %arg4[%dma_start3A_0] : memref<2x!tpu.dma_semaphore, #tpu.memory_space<semaphore_mem>> -> memref<1x!tpu.dma_semaphore, #tpu.memory_space<semaphore_mem>>
    %dma_start3A_2 = tpu.memref_squeeze %dma_start3A_1 : memref<1x!tpu.dma_semaphore, #tpu.memory_space<semaphore_mem>> -> memref<!tpu.dma_semaphore, #tpu.memory_space<semaphore_mem>>
    %dma_start3A_3 = arith.constant 0 : i32
    %dma_start3A_4 = arith.constant 0 : i32
    %dma_start3A_5 = tpu.memref_slice %arg2[%dma_start3A, %dma_start3A_3, %dma_start3A_4] : memref<2x4096x128xf32, #tpu.memory_space<vmem>> -> memref<1x4096x128xf32, #tpu.memory_space<vmem>>
    %dma_start3A_6 = tpu.memref_squeeze %dma_start3A_5 : memref<1x4096x128xf32, #tpu.memory_space<vmem>> -> memref<4096x128xf32, #tpu.memory_space<vmem>>
    %dma_start3A_7 = arith.constant 0 : i32
    %dma_start3A_8 = arith.constant 0 : i32
    %dma_start3A_9 = tpu.memref_slice %arg0[%dma_start3A_7, %dma_start3A_8] : memref<16384x128xf32, #tpu.memory_space<hbm>> -> memref<4096x128xf32, #tpu.memory_space<hbm>>
    tpu.enqueue_dma source(%dma_start3A_9 : memref<4096x128xf32, #tpu.memory_space<hbm>>) target(%dma_start3A_6 : memref<4096x128xf32, #tpu.memory_space<vmem>>) target_semaphore(%dma_start3A_2 : memref<!tpu.dma_semaphore, #tpu.memory_space<semaphore_mem>>)
    %dma_start3A_10 = arith.constant 1 : i32
    %dma_start3A_11 = arith.constant 1 : i32
    %dma_start3A_12 = tpu.memref_slice %arg4[%dma_start3A_11] : memref<2x!tpu.dma_semaphore, #tpu.memory_space<semaphore_mem>> -> memref<1x!tpu.dma_semaphore, #tpu.memory_space<semaphore_mem>>
    %dma_start3A_13 = tpu.memref_squeeze %dma_start3A_12 : memref<1x!tpu.dma_semaphore, #tpu.memory_space<semaphore_mem>> -> memref<!tpu.dma_semaphore, #tpu.memory_space<semaphore_mem>>
    %dma_start3A_14 = arith.constant 0 : i32
    %dma_start3A_15 = arith.constant 0 : i32
    %dma_start3A_16 = tpu.memref_slice %arg2[%dma_start3A_10, %dma_start3A_14, %dma_start3A_15] : memref<2x4096x128xf32, #tpu.memory_space<vmem>> -> memref<1x4096x128xf32, #tpu.memory_space<vmem>>
    %dma_start3A_17 = tpu.memref_squeeze %dma_start3A_16 : memref<1x4096x128xf32, #tpu.memory_space<vmem>> -> memref<4096x128xf32, #tpu.memory_space<vmem>>
    %dma_start3A_18 = arith.constant 4096 : i32
    %dma_start3A_19 = arith.constant 0 : i32
    %dma_start3A_20 = tpu.memref_slice %arg0[%dma_start3A_18, %dma_start3A_19] : memref<16384x128xf32, #tpu.memory_space<hbm>> -> memref<4096x128xf32, #tpu.memory_space<hbm>>
    tpu.enqueue_dma source(%dma_start3A_20 : memref<4096x128xf32, #tpu.memory_space<hbm>>) target(%dma_start3A_17 : memref<4096x128xf32, #tpu.memory_space<vmem>>) target_semaphore(%dma_start3A_13 : memref<!tpu.dma_semaphore, #tpu.memory_space<semaphore_mem>>)
    %dma_wait3A = arith.constant 0 : i32
    %dma_wait3A_21 = arith.constant 0 : i32
    %dma_wait3A_22 = tpu.memref_slice %arg4[%dma_wait3A_21] : memref<2x!tpu.dma_semaphore, #tpu.memory_space<semaphore_mem>> -> memref<1x!tpu.dma_semaphore, #tpu.memory_space<semaphore_mem>>
    %dma_wait3A_23 = tpu.memref_squeeze %dma_wait3A_22 : memref<1x!tpu.dma_semaphore, #tpu.memory_space<semaphore_mem>> -> memref<!tpu.dma_semaphore, #tpu.memory_space<semaphore_mem>>
    %dma_wait3A_24 = arith.constant 0 : i32
    %dma_wait3A_25 = arith.constant 0 : i32
    %dma_wait3A_26 = tpu.memref_slice %arg2[%dma_wait3A, %dma_wait3A_24, %dma_wait3A_25] : memref<2x4096x128xf32, #tpu.memory_space<vmem>> -> memref<1x4096x128xf32, #tpu.memory_space<vmem>>
    %dma_wait3A_27 = tpu.memref_squeeze %dma_wait3A_26 : memref<1x4096x128xf32, #tpu.memory_space<vmem>> -> memref<4096x128xf32, #tpu.memory_space<vmem>>
    %dma_wait3A_28 = arith.constant 0 : i32
    %dma_wait3A_29 = arith.constant 0 : i32
    %dma_wait3A_30 = tpu.memref_slice %arg0[%dma_wait3A_28, %dma_wait3A_29] : memref<16384x128xf32, #tpu.memory_space<hbm>> -> memref<4096x128xf32, #tpu.memory_space<hbm>>
    tpu.wait_dma2 semaphore(%dma_wait3A_23 : memref<!tpu.dma_semaphore, #tpu.memory_space<semaphore_mem>>) src(%dma_wait3A_30 : memref<4096x128xf32, #tpu.memory_space<hbm>>) dst(%dma_wait3A_27 : memref<4096x128xf32, #tpu.memory_space<vmem>>)
    %get3A = arith.constant 0 : index
    %get3A_31 = arith.constant 0 : index
    %get3A_32 = arith.constant 0 : index
    %get3A_33 = vector.load %arg2[%get3A, %get3A_31, %get3A_32] : memref<2x4096x128xf32, #tpu.memory_space<vmem>>, vector<1x4096x128xf32>
    %get3A_34 = vector.shape_cast %get3A_33 : vector<1x4096x128xf32> to vector<4096x128xf32>
    %transpose3A = tpu.transpose %get3A_34, [1, 0] : vector<4096x128xf32> -> vector<128x4096xf32>
    %swap3A = arith.constant 0 : index
    %swap3A_35 = arith.constant 0 : index
    %swap3A_36 = arith.constant 0 : index
    %swap3A_37 = vector.load %arg3[%swap3A, %swap3A_35, %swap3A_36] : memref<2x128x4096xf32, #tpu.memory_space<vmem>>, vector<1x128x4096xf32>
    %swap3A_38 = vector.shape_cast %swap3A_37 : vector<1x128x4096xf32> to vector<128x4096xf32>
    %swap3A_39 = vector.shape_cast %transpose3A : vector<128x4096xf32> to vector<1x128x4096xf32>
    tpu.vector_store %arg3[%swap3A, %swap3A_35, %swap3A_36], %swap3A_39 {strides = array<i32>} : memref<2x128x4096xf32, #tpu.memory_space<vmem>>, vector<1x128x4096xf32>,
    %dma_start3A_40 = arith.constant 0 : i32
    %dma_start3A_41 = arith.constant 0 : i32
    %dma_start3A_42 = arith.constant 0 : i32
    %dma_start3A_43 = tpu.memref_slice %arg5[%dma_start3A_42] : memref<2x!tpu.dma_semaphore, #tpu.memory_space<semaphore_mem>> -> memref<1x!tpu.dma_semaphore, #tpu.memory_space<semaphore_mem>>
    %dma_start3A_44 = tpu.memref_squeeze %dma_start3A_43 : memref<1x!tpu.dma_semaphore, #tpu.memory_space<semaphore_mem>> -> memref<!tpu.dma_semaphore, #tpu.memory_space<semaphore_mem>>
    %dma_start3A_45 = arith.constant 0 : i32
    %dma_start3A_46 = arith.constant 0 : i32
    %dma_start3A_47 = tpu.memref_slice %arg1[%dma_start3A_41, %dma_start3A_45, %dma_start3A_46] : memref<2x64x16384xf32, #tpu.memory_space<hbm>> -> memref<1x64x4096xf32, #tpu.memory_space<hbm>>
    %dma_start3A_48 = tpu.memref_squeeze %dma_start3A_47 : memref<1x64x4096xf32, #tpu.memory_space<hbm>> -> memref<64x4096xf32, #tpu.memory_space<hbm>>
    %dma_start3A_49 = arith.constant 0 : i32
    %dma_start3A_50 = arith.constant 0 : i32
    %dma_start3A_51 = tpu.memref_slice %arg3[%dma_start3A_40, %dma_start3A_49, %dma_start3A_50] : memref<2x128x4096xf32, #tpu.memory_space<vmem>> -> memref<1x64x4096xf32, #tpu.memory_space<vmem>>
    %dma_start3A_52 = tpu.memref_squeeze %dma_start3A_51 : memref<1x64x4096xf32, #tpu.memory_space<vmem>> -> memref<64x4096xf32, #tpu.memory_space<vmem>>
    tpu.enqueue_dma source(%dma_start3A_52 : memref<64x4096xf32, #tpu.memory_space<vmem>>) target(%dma_start3A_48 : memref<64x4096xf32, #tpu.memory_space<hbm>>) target_semaphore(%dma_start3A_44 : memref<!tpu.dma_semaphore, #tpu.memory_space<semaphore_mem>>)
    %dma_start3A_53 = arith.constant 0 : i32
    %dma_start3A_54 = arith.constant 1 : i32
    %dma_start3A_55 = arith.constant 0 : i32
    %dma_start3A_56 = tpu.memref_slice %arg5[%dma_start3A_55] : memref<2x!tpu.dma_semaphore, #tpu.memory_space<semaphore_mem>> -> memref<1x!tpu.dma_semaphore, #tpu.memory_space<semaphore_mem>>
    %dma_start3A_57 = tpu.memref_squeeze %dma_start3A_56 : memref<1x!tpu.dma_semaphore, #tpu.memory_space<semaphore_mem>> -> memref<!tpu.dma_semaphore, #tpu.memory_space<semaphore_mem>>
    %dma_start3A_58 = arith.constant 0 : i32
    %dma_start3A_59 = arith.constant 0 : i32
    %dma_start3A_60 = tpu.memref_slice %arg1[%dma_start3A_54, %dma_start3A_58, %dma_start3A_59] : memref<2x64x16384xf32, #tpu.memory_space<hbm>> -> memref<1x64x4096xf32, #tpu.memory_space<hbm>>
    %dma_start3A_61 = tpu.memref_squeeze %dma_start3A_60 : memref<1x64x4096xf32, #tpu.memory_space<hbm>> -> memref<64x4096xf32, #tpu.memory_space<hbm>>
    %dma_start3A_62 = arith.constant 64 : i32
    %dma_start3A_63 = arith.constant 0 : i32
    %dma_start3A_64 = tpu.memref_slice %arg3[%dma_start3A_53, %dma_start3A_62, %dma_start3A_63] : memref<2x128x4096xf32, #tpu.memory_space<vmem>> -> memref<1x64x4096xf32, #tpu.memory_space<vmem>>
    %dma_start3A_65 = tpu.memref_squeeze %dma_start3A_64 : memref<1x64x4096xf32, #tpu.memory_space<vmem>> -> memref<64x4096xf32, #tpu.memory_space<vmem>>
    tpu.enqueue_dma source(%dma_start3A_65 : memref<64x4096xf32, #tpu.memory_space<vmem>>) target(%dma_start3A_61 : memref<64x4096xf32, #tpu.memory_space<hbm>>) target_semaphore(%dma_start3A_57 : memref<!tpu.dma_semaphore, #tpu.memory_space<semaphore_mem>>)
    %dma_start3A_66 = arith.constant 0 : i32
    %dma_start3A_67 = arith.constant 0 : i32
    %dma_start3A_68 = tpu.memref_slice %arg4[%dma_start3A_67] : memref<2x!tpu.dma_semaphore, #tpu.memory_space<semaphore_mem>> -> memref<1x!tpu.dma_semaphore, #tpu.memory_space<semaphore_mem>>
    %dma_start3A_69 = tpu.memref_squeeze %dma_start3A_68 : memref<1x!tpu.dma_semaphore, #tpu.memory_space<semaphore_mem>> -> memref<!tpu.dma_semaphore, #tpu.memory_space<semaphore_mem>>
    %dma_start3A_70 = arith.constant 0 : i32
    %dma_start3A_71 = arith.constant 0 : i32
    %dma_start3A_72 = tpu.memref_slice %arg2[%dma_start3A_66, %dma_start3A_70, %dma_start3A_71] : memref<2x4096x128xf32, #tpu.memory_space<vmem>> -> memref<1x4096x128xf32, #tpu.memory_space<vmem>>
    %dma_start3A_73 = tpu.memref_squeeze %dma_start3A_72 : memref<1x4096x128xf32, #tpu.memory_space<vmem>> -> memref<4096x128xf32, #tpu.memory_space<vmem>>
    %dma_start3A_74 = arith.constant 8192 : i32
    %dma_start3A_75 = arith.constant 0 : i32
    %dma_start3A_76 = tpu.memref_slice %arg0[%dma_start3A_74, %dma_start3A_75] : memref<16384x128xf32, #tpu.memory_space<hbm>> -> memref<4096x128xf32, #tpu.memory_space<hbm>>
    tpu.enqueue_dma source(%dma_start3A_76 : memref<4096x128xf32, #tpu.memory_space<hbm>>) target(%dma_start3A_73 : memref<4096x128xf32, #tpu.memory_space<vmem>>) target_semaphore(%dma_start3A_69 : memref<!tpu.dma_semaphore, #tpu.memory_space<semaphore_mem>>)
    %dma_wait3A_77 = arith.constant 1 : i32
    %dma_wait3A_78 = arith.constant 1 : i32
    %dma_wait3A_79 = tpu.memref_slice %arg4[%dma_wait3A_78] : memref<2x!tpu.dma_semaphore, #tpu.memory_space<semaphore_mem>> -> memref<1x!tpu.dma_semaphore, #tpu.memory_space<semaphore_mem>>
    %dma_wait3A_80 = tpu.memref_squeeze %dma_wait3A_79 : memref<1x!tpu.dma_semaphore, #tpu.memory_space<semaphore_mem>> -> memref<!tpu.dma_semaphore, #tpu.memory_space<semaphore_mem>>
    %dma_wait3A_81 = arith.constant 0 : i32
    %dma_wait3A_82 = arith.constant 0 : i32
    %dma_wait3A_83 = tpu.memref_slice %arg2[%dma_wait3A_77, %dma_wait3A_81, %dma_wait3A_82] : memref<2x4096x128xf32, #tpu.memory_space<vmem>> -> memref<1x4096x128xf32, #tpu.memory_space<vmem>>
    %dma_wait3A_84 = tpu.memref_squeeze %dma_wait3A_83 : memref<1x4096x128xf32, #tpu.memory_space<vmem>> -> memref<4096x128xf32, #tpu.memory_space<vmem>>
    %dma_wait3A_85 = arith.constant 4096 : i32
    %dma_wait3A_86 = arith.constant 0 : i32
    %dma_wait3A_87 = tpu.memref_slice %arg0[%dma_wait3A_85, %dma_wait3A_86] : memref<16384x128xf32, #tpu.memory_space<hbm>> -> memref<4096x128xf32, #tpu.memory_space<hbm>>
    tpu.wait_dma2 semaphore(%dma_wait3A_80 : memref<!tpu.dma_semaphore, #tpu.memory_space<semaphore_mem>>) src(%dma_wait3A_87 : memref<4096x128xf32, #tpu.memory_space<hbm>>) dst(%dma_wait3A_84 : memref<4096x128xf32, #tpu.memory_space<vmem>>)
    %get3A_88 = arith.constant 1 : index
    %get3A_89 = arith.constant 0 : index
    %get3A_90 = arith.constant 0 : index
    %get3A_91 = vector.load %arg2[%get3A_88, %get3A_89, %get3A_90] : memref<2x4096x128xf32, #tpu.memory_space<vmem>>, vector<1x4096x128xf32>
    %get3A_92 = vector.shape_cast %get3A_91 : vector<1x4096x128xf32> to vector<4096x128xf32>
    %transpose3A_93 = tpu.transpose %get3A_92, [1, 0] : vector<4096x128xf32> -> vector<128x4096xf32>
    %swap3A_94 = arith.constant 1 : index
    %swap3A_95 = arith.constant 0 : index
    %swap3A_96 = arith.constant 0 : index
    %swap3A_97 = vector.load %arg3[%swap3A_94, %swap3A_95, %swap3A_96] : memref<2x128x4096xf32, #tpu.memory_space<vmem>>, vector<1x128x4096xf32>
    %swap3A_98 = vector.shape_cast %swap3A_97 : vector<1x128x4096xf32> to vector<128x4096xf32>
    %swap3A_99 = vector.shape_cast %transpose3A_93 : vector<128x4096xf32> to vector<1x128x4096xf32>
    tpu.vector_store %arg3[%swap3A_94, %swap3A_95, %swap3A_96], %swap3A_99 {strides = array<i32>} : memref<2x128x4096xf32, #tpu.memory_space<vmem>>, vector<1x128x4096xf32>,
    %dma_start3A_100 = arith.constant 1 : i32
    %dma_start3A_101 = arith.constant 0 : i32
    %dma_start3A_102 = arith.constant 1 : i32
    %dma_start3A_103 = tpu.memref_slice %arg5[%dma_start3A_102] : memref<2x!tpu.dma_semaphore, #tpu.memory_space<semaphore_mem>> -> memref<1x!tpu.dma_semaphore, #tpu.memory_space<semaphore_mem>>
    %dma_start3A_104 = tpu.memref_squeeze %dma_start3A_103 : memref<1x!tpu.dma_semaphore, #tpu.memory_space<semaphore_mem>> -> memref<!tpu.dma_semaphore, #tpu.memory_space<semaphore_mem>>
    %dma_start3A_105 = arith.constant 0 : i32
    %dma_start3A_106 = arith.constant 4096 : i32
    %dma_start3A_107 = tpu.memref_slice %arg1[%dma_start3A_101, %dma_start3A_105, %dma_start3A_106] : memref<2x64x16384xf32, #tpu.memory_space<hbm>> -> memref<1x64x4096xf32, #tpu.memory_space<hbm>>
    %dma_start3A_108 = tpu.memref_squeeze %dma_start3A_107 : memref<1x64x4096xf32, #tpu.memory_space<hbm>> -> memref<64x4096xf32, #tpu.memory_space<hbm>>
    %dma_start3A_109 = arith.constant 0 : i32
    %dma_start3A_110 = arith.constant 0 : i32
    %dma_start3A_111 = tpu.memref_slice %arg3[%dma_start3A_100, %dma_start3A_109, %dma_start3A_110] : memref<2x128x4096xf32, #tpu.memory_space<vmem>> -> memref<1x64x4096xf32, #tpu.memory_space<vmem>>
    %dma_start3A_112 = tpu.memref_squeeze %dma_start3A_111 : memref<1x64x4096xf32, #tpu.memory_space<vmem>> -> memref<64x4096xf32, #tpu.memory_space<vmem>>
    tpu.enqueue_dma source(%dma_start3A_112 : memref<64x4096xf32, #tpu.memory_space<vmem>>) target(%dma_start3A_108 : memref<64x4096xf32, #tpu.memory_space<hbm>>) target_semaphore(%dma_start3A_104 : memref<!tpu.dma_semaphore, #tpu.memory_space<semaphore_mem>>)
    %dma_start3A_113 = arith.constant 1 : i32
    %dma_start3A_114 = arith.constant 1 : i32
    %dma_start3A_115 = arith.constant 1 : i32
    %dma_start3A_116 = tpu.memref_slice %arg5[%dma_start3A_115] : memref<2x!tpu.dma_semaphore, #tpu.memory_space<semaphore_mem>> -> memref<1x!tpu.dma_semaphore, #tpu.memory_space<semaphore_mem>>
    %dma_start3A_117 = tpu.memref_squeeze %dma_start3A_116 : memref<1x!tpu.dma_semaphore, #tpu.memory_space<semaphore_mem>> -> memref<!tpu.dma_semaphore, #tpu.memory_space<semaphore_mem>>
    %dma_start3A_118 = arith.constant 0 : i32
    %dma_start3A_119 = arith.constant 4096 : i32
    %dma_start3A_120 = tpu.memref_slice %arg1[%dma_start3A_114, %dma_start3A_118, %dma_start3A_119] : memref<2x64x16384xf32, #tpu.memory_space<hbm>> -> memref<1x64x4096xf32, #tpu.memory_space<hbm>>
    %dma_start3A_121 = tpu.memref_squeeze %dma_start3A_120 : memref<1x64x4096xf32, #tpu.memory_space<hbm>> -> memref<64x4096xf32, #tpu.memory_space<hbm>>
    %dma_start3A_122 = arith.constant 64 : i32
    %dma_start3A_123 = arith.constant 0 : i32
    %dma_start3A_124 = tpu.memref_slice %arg3[%dma_start3A_113, %dma_start3A_122, %dma_start3A_123] : memref<2x128x4096xf32, #tpu.memory_space<vmem>> -> memref<1x64x4096xf32, #tpu.memory_space<vmem>>
    %dma_start3A_125 = tpu.memref_squeeze %dma_start3A_124 : memref<1x64x4096xf32, #tpu.memory_space<vmem>> -> memref<64x4096xf32, #tpu.memory_space<vmem>>
    tpu.enqueue_dma source(%dma_start3A_125 : memref<64x4096xf32, #tpu.memory_space<vmem>>) target(%dma_start3A_121 : memref<64x4096xf32, #tpu.memory_space<hbm>>) target_semaphore(%dma_start3A_117 : memref<!tpu.dma_semaphore, #tpu.memory_space<semaphore_mem>>)
    %dma_start3A_126 = arith.constant 1 : i32
    %dma_start3A_127 = arith.constant 1 : i32
    %dma_start3A_128 = tpu.memref_slice %arg4[%dma_start3A_127] : memref<2x!tpu.dma_semaphore, #tpu.memory_space<semaphore_mem>> -> memref<1x!tpu.dma_semaphore, #tpu.memory_space<semaphore_mem>>
    %dma_start3A_129 = tpu.memref_squeeze %dma_start3A_128 : memref<1x!tpu.dma_semaphore, #tpu.memory_space<semaphore_mem>> -> memref<!tpu.dma_semaphore, #tpu.memory_space<semaphore_mem>>
    %dma_start3A_130 = arith.constant 0 : i32
    %dma_start3A_131 = arith.constant 0 : i32
    %dma_start3A_132 = tpu.memref_slice %arg2[%dma_start3A_126, %dma_start3A_130, %dma_start3A_131] : memref<2x4096x128xf32, #tpu.memory_space<vmem>> -> memref<1x4096x128xf32, #tpu.memory_space<vmem>>
    %dma_start3A_133 = tpu.memref_squeeze %dma_start3A_132 : memref<1x4096x128xf32, #tpu.memory_space<vmem>> -> memref<4096x128xf32, #tpu.memory_space<vmem>>
    %dma_start3A_134 = arith.constant 12288 : i32
    %dma_start3A_135 = arith.constant 0 : i32
    %dma_start3A_136 = tpu.memref_slice %arg0[%dma_start3A_134, %dma_start3A_135] : memref<16384x128xf32, #tpu.memory_space<hbm>> -> memref<4096x128xf32, #tpu.memory_space<hbm>>
    tpu.enqueue_dma source(%dma_start3A_136 : memref<4096x128xf32, #tpu.memory_space<hbm>>) target(%dma_start3A_133 : memref<4096x128xf32, #tpu.memory_space<vmem>>) target_semaphore(%dma_start3A_129 : memref<!tpu.dma_semaphore, #tpu.memory_space<semaphore_mem>>)
    %dma_wait3A_137 = arith.constant 0 : i32
    %dma_wait3A_138 = arith.constant 0 : i32
    %dma_wait3A_139 = tpu.memref_slice %arg4[%dma_wait3A_138] : memref<2x!tpu.dma_semaphore, #tpu.memory_space<semaphore_mem>> -> memref<1x!tpu.dma_semaphore, #tpu.memory_space<semaphore_mem>>
    %dma_wait3A_140 = tpu.memref_squeeze %dma_wait3A_139 : memref<1x!tpu.dma_semaphore, #tpu.memory_space<semaphore_mem>> -> memref<!tpu.dma_semaphore, #tpu.memory_space<semaphore_mem>>
    %dma_wait3A_141 = arith.constant 0 : i32
    %dma_wait3A_142 = arith.constant 0 : i32
    %dma_wait3A_143 = tpu.memref_slice %arg2[%dma_wait3A_137, %dma_wait3A_141, %dma_wait3A_142] : memref<2x4096x128xf32, #tpu.memory_space<vmem>> -> memref<1x4096x128xf32, #tpu.memory_space<vmem>>
    %dma_wait3A_144 = tpu.memref_squeeze %dma_wait3A_143 : memref<1x4096x128xf32, #tpu.memory_space<vmem>> -> memref<4096x128xf32, #tpu.memory_space<vmem>>
    %dma_wait3A_145 = arith.constant 8192 : i32
    %dma_wait3A_146 = arith.constant 0 : i32
    %dma_wait3A_147 = tpu.memref_slice %arg0[%dma_wait3A_145, %dma_wait3A_146] : memref<16384x128xf32, #tpu.memory_space<hbm>> -> memref<4096x128xf32, #tpu.memory_space<hbm>>
    tpu.wait_dma2 semaphore(%dma_wait3A_140 : memref<!tpu.dma_semaphore, #tpu.memory_space<semaphore_mem>>) src(%dma_wait3A_147 : memref<4096x128xf32, #tpu.memory_space<hbm>>) dst(%dma_wait3A_144 : memref<4096x128xf32, #tpu.memory_space<vmem>>)
    %dma_wait3A_148 = arith.constant 0 : i32
    %dma_wait3A_149 = arith.constant 0 : i32
    %dma_wait3A_150 = arith.constant 0 : i32
    %dma_wait3A_151 = tpu.memref_slice %arg5[%dma_wait3A_150] : memref<2x!tpu.dma_semaphore, #tpu.memory_space<semaphore_mem>> -> memref<1x!tpu.dma_semaphore, #tpu.memory_space<semaphore_mem>>
    %dma_wait3A_152 = tpu.memref_squeeze %dma_wait3A_151 : memref<1x!tpu.dma_semaphore, #tpu.memory_space<semaphore_mem>> -> memref<!tpu.dma_semaphore, #tpu.memory_space<semaphore_mem>>
    %dma_wait3A_153 = arith.constant 0 : i32
    %dma_wait3A_154 = arith.constant 0 : i32
    %dma_wait3A_155 = tpu.memref_slice %arg1[%dma_wait3A_149, %dma_wait3A_153, %dma_wait3A_154] : memref<2x64x16384xf32, #tpu.memory_space<hbm>> -> memref<1x64x4096xf32, #tpu.memory_space<hbm>>
    %dma_wait3A_156 = tpu.memref_squeeze %dma_wait3A_155 : memref<1x64x4096xf32, #tpu.memory_space<hbm>> -> memref<64x4096xf32, #tpu.memory_space<hbm>>
    %dma_wait3A_157 = arith.constant 0 : i32
    %dma_wait3A_158 = arith.constant 0 : i32
    %dma_wait3A_159 = tpu.memref_slice %arg3[%dma_wait3A_148, %dma_wait3A_157, %dma_wait3A_158] : memref<2x128x4096xf32, #tpu.memory_space<vmem>> -> memref<1x64x4096xf32, #tpu.memory_space<vmem>>
    %dma_wait3A_160 = tpu.memref_squeeze %dma_wait3A_159 : memref<1x64x4096xf32, #tpu.memory_space<vmem>> -> memref<64x4096xf32, #tpu.memory_space<vmem>>
    tpu.wait_dma2 semaphore(%dma_wait3A_152 : memref<!tpu.dma_semaphore, #tpu.memory_space<semaphore_mem>>) src(%dma_wait3A_160 : memref<64x4096xf32, #tpu.memory_space<vmem>>) dst(%dma_wait3A_156 : memref<64x4096xf32, #tpu.memory_space<hbm>>)
    %dma_wait3A_161 = arith.constant 0 : i32
    %dma_wait3A_162 = arith.constant 1 : i32
    %dma_wait3A_163 = arith.constant 0 : i32
    %dma_wait3A_164 = tpu.memref_slice %arg5[%dma_wait3A_163] : memref<2x!tpu.dma_semaphore, #tpu.memory_space<semaphore_mem>> -> memref<1x!tpu.dma_semaphore, #tpu.memory_space<semaphore_mem>>
    %dma_wait3A_165 = tpu.memref_squeeze %dma_wait3A_164 : memref<1x!tpu.dma_semaphore, #tpu.memory_space<semaphore_mem>> -> memref<!tpu.dma_semaphore, #tpu.memory_space<semaphore_mem>>
    %dma_wait3A_166 = arith.constant 0 : i32
    %dma_wait3A_167 = arith.constant 0 : i32
    %dma_wait3A_168 = tpu.memref_slice %arg1[%dma_wait3A_162, %dma_wait3A_166, %dma_wait3A_167] : memref<2x64x16384xf32, #tpu.memory_space<hbm>> -> memref<1x64x4096xf32, #tpu.memory_space<hbm>>
    %dma_wait3A_169 = tpu.memref_squeeze %dma_wait3A_168 : memref<1x64x4096xf32, #tpu.memory_space<hbm>> -> memref<64x4096xf32, #tpu.memory_space<hbm>>
    %dma_wait3A_170 = arith.constant 64 : i32
    %dma_wait3A_171 = arith.constant 0 : i32
    %dma_wait3A_172 = tpu.memref_slice %arg3[%dma_wait3A_161, %dma_wait3A_170, %dma_wait3A_171] : memref<2x128x4096xf32, #tpu.memory_space<vmem>> -> memref<1x64x4096xf32, #tpu.memory_space<vmem>>
    %dma_wait3A_173 = tpu.memref_squeeze %dma_wait3A_172 : memref<1x64x4096xf32, #tpu.memory_space<vmem>> -> memref<64x4096xf32, #tpu.memory_space<vmem>>
    tpu.wait_dma2 semaphore(%dma_wait3A_165 : memref<!tpu.dma_semaphore, #tpu.memory_space<semaphore_mem>>) src(%dma_wait3A_173 : memref<64x4096xf32, #tpu.memory_space<vmem>>) dst(%dma_wait3A_169 : memref<64x4096xf32, #tpu.memory_space<hbm>>)
    %get3A_174 = arith.constant 0 : index
    %get3A_175 = arith.constant 0 : index
    %get3A_176 = arith.constant 0 : index
    %get3A_177 = vector.load %arg2[%get3A_174, %get3A_175, %get3A_176] : memref<2x4096x128xf32, #tpu.memory_space<vmem>>, vector<1x4096x128xf32>
    %get3A_178 = vector.shape_cast %get3A_177 : vector<1x4096x128xf32> to vector<4096x128xf32>
    %transpose3A_179 = tpu.transpose %get3A_178, [1, 0] : vector<4096x128xf32> -> vector<128x4096xf32>
    %swap3A_180 = arith.constant 0 : index
    %swap3A_181 = arith.constant 0 : index
    %swap3A_182 = arith.constant 0 : index
    %swap3A_183 = vector.load %arg3[%swap3A_180, %swap3A_181, %swap3A_182] : memref<2x128x4096xf32, #tpu.memory_space<vmem>>, vector<1x128x4096xf32>
    %swap3A_184 = vector.shape_cast %swap3A_183 : vector<1x128x4096xf32> to vector<128x4096xf32>
    %swap3A_185 = vector.shape_cast %transpose3A_179 : vector<128x4096xf32> to vector<1x128x4096xf32>
    tpu.vector_store %arg3[%swap3A_180, %swap3A_181, %swap3A_182], %swap3A_185 {strides = array<i32>} : memref<2x128x4096xf32, #tpu.memory_space<vmem>>, vector<1x128x4096xf32>,
    %dma_start3A_186 = arith.constant 0 : i32
    %dma_start3A_187 = arith.constant 0 : i32
    %dma_start3A_188 = arith.constant 0 : i32
    %dma_start3A_189 = tpu.memref_slice %arg5[%dma_start3A_188] : memref<2x!tpu.dma_semaphore, #tpu.memory_space<semaphore_mem>> -> memref<1x!tpu.dma_semaphore, #tpu.memory_space<semaphore_mem>>
    %dma_start3A_190 = tpu.memref_squeeze %dma_start3A_189 : memref<1x!tpu.dma_semaphore, #tpu.memory_space<semaphore_mem>> -> memref<!tpu.dma_semaphore, #tpu.memory_space<semaphore_mem>>
    %dma_start3A_191 = arith.constant 0 : i32
    %dma_start3A_192 = arith.constant 8192 : i32
    %dma_start3A_193 = tpu.memref_slice %arg1[%dma_start3A_187, %dma_start3A_191, %dma_start3A_192] : memref<2x64x16384xf32, #tpu.memory_space<hbm>> -> memref<1x64x4096xf32, #tpu.memory_space<hbm>>
    %dma_start3A_194 = tpu.memref_squeeze %dma_start3A_193 : memref<1x64x4096xf32, #tpu.memory_space<hbm>> -> memref<64x4096xf32, #tpu.memory_space<hbm>>
    %dma_start3A_195 = arith.constant 0 : i32
    %dma_start3A_196 = arith.constant 0 : i32
    %dma_start3A_197 = tpu.memref_slice %arg3[%dma_start3A_186, %dma_start3A_195, %dma_start3A_196] : memref<2x128x4096xf32, #tpu.memory_space<vmem>> -> memref<1x64x4096xf32, #tpu.memory_space<vmem>>
    %dma_start3A_198 = tpu.memref_squeeze %dma_start3A_197 : memref<1x64x4096xf32, #tpu.memory_space<vmem>> -> memref<64x4096xf32, #tpu.memory_space<vmem>>
    tpu.enqueue_dma source(%dma_start3A_198 : memref<64x4096xf32, #tpu.memory_space<vmem>>) target(%dma_start3A_194 : memref<64x4096xf32, #tpu.memory_space<hbm>>) target_semaphore(%dma_start3A_190 : memref<!tpu.dma_semaphore, #tpu.memory_space<semaphore_mem>>)
    %dma_start3A_199 = arith.constant 0 : i32
    %dma_start3A_200 = arith.constant 1 : i32
    %dma_start3A_201 = arith.constant 0 : i32
    %dma_start3A_202 = tpu.memref_slice %arg5[%dma_start3A_201] : memref<2x!tpu.dma_semaphore, #tpu.memory_space<semaphore_mem>> -> memref<1x!tpu.dma_semaphore, #tpu.memory_space<semaphore_mem>>
    %dma_start3A_203 = tpu.memref_squeeze %dma_start3A_202 : memref<1x!tpu.dma_semaphore, #tpu.memory_space<semaphore_mem>> -> memref<!tpu.dma_semaphore, #tpu.memory_space<semaphore_mem>>
    %dma_start3A_204 = arith.constant 0 : i32
    %dma_start3A_205 = arith.constant 8192 : i32
    %dma_start3A_206 = tpu.memref_slice %arg1[%dma_start3A_200, %dma_start3A_204, %dma_start3A_205] : memref<2x64x16384xf32, #tpu.memory_space<hbm>> -> memref<1x64x4096xf32, #tpu.memory_space<hbm>>
    %dma_start3A_207 = tpu.memref_squeeze %dma_start3A_206 : memref<1x64x4096xf32, #tpu.memory_space<hbm>> -> memref<64x4096xf32, #tpu.memory_space<hbm>>
    %dma_start3A_208 = arith.constant 64 : i32
    %dma_start3A_209 = arith.constant 0 : i32
    %dma_start3A_210 = tpu.memref_slice %arg3[%dma_start3A_199, %dma_start3A_208, %dma_start3A_209] : memref<2x128x4096xf32, #tpu.memory_space<vmem>> -> memref<1x64x4096xf32, #tpu.memory_space<vmem>>
    %dma_start3A_211 = tpu.memref_squeeze %dma_start3A_210 : memref<1x64x4096xf32, #tpu.memory_space<vmem>> -> memref<64x4096xf32, #tpu.memory_space<vmem>>
    tpu.enqueue_dma source(%dma_start3A_211 : memref<64x4096xf32, #tpu.memory_space<vmem>>) target(%dma_start3A_207 : memref<64x4096xf32, #tpu.memory_space<hbm>>) target_semaphore(%dma_start3A_203 : memref<!tpu.dma_semaphore, #tpu.memory_space<semaphore_mem>>)
    %dma_wait3A_212 = arith.constant 1 : i32
    %dma_wait3A_213 = arith.constant 1 : i32
    %dma_wait3A_214 = tpu.memref_slice %arg4[%dma_wait3A_213] : memref<2x!tpu.dma_semaphore, #tpu.memory_space<semaphore_mem>> -> memref<1x!tpu.dma_semaphore, #tpu.memory_space<semaphore_mem>>
    %dma_wait3A_215 = tpu.memref_squeeze %dma_wait3A_214 : memref<1x!tpu.dma_semaphore, #tpu.memory_space<semaphore_mem>> -> memref<!tpu.dma_semaphore, #tpu.memory_space<semaphore_mem>>
    %dma_wait3A_216 = arith.constant 0 : i32
    %dma_wait3A_217 = arith.constant 0 : i32
    %dma_wait3A_218 = tpu.memref_slice %arg2[%dma_wait3A_212, %dma_wait3A_216, %dma_wait3A_217] : memref<2x4096x128xf32, #tpu.memory_space<vmem>> -> memref<1x4096x128xf32, #tpu.memory_space<vmem>>
    %dma_wait3A_219 = tpu.memref_squeeze %dma_wait3A_218 : memref<1x4096x128xf32, #tpu.memory_space<vmem>> -> memref<4096x128xf32, #tpu.memory_space<vmem>>
    %dma_wait3A_220 = arith.constant 12288 : i32
    %dma_wait3A_221 = arith.constant 0 : i32
    %dma_wait3A_222 = tpu.memref_slice %arg0[%dma_wait3A_220, %dma_wait3A_221] : memref<16384x128xf32, #tpu.memory_space<hbm>> -> memref<4096x128xf32, #tpu.memory_space<hbm>>
    tpu.wait_dma2 semaphore(%dma_wait3A_215 : memref<!tpu.dma_semaphore, #tpu.memory_space<semaphore_mem>>) src(%dma_wait3A_222 : memref<4096x128xf32, #tpu.memory_space<hbm>>) dst(%dma_wait3A_219 : memref<4096x128xf32, #tpu.memory_space<vmem>>)
    %dma_wait3A_223 = arith.constant 1 : i32
    %dma_wait3A_224 = arith.constant 0 : i32
    %dma_wait3A_225 = arith.constant 1 : i32
    %dma_wait3A_226 = tpu.memref_slice %arg5[%dma_wait3A_225] : memref<2x!tpu.dma_semaphore, #tpu.memory_space<semaphore_mem>> -> memref<1x!tpu.dma_semaphore, #tpu.memory_space<semaphore_mem>>
    %dma_wait3A_227 = tpu.memref_squeeze %dma_wait3A_226 : memref<1x!tpu.dma_semaphore, #tpu.memory_space<semaphore_mem>> -> memref<!tpu.dma_semaphore, #tpu.memory_space<semaphore_mem>>
    %dma_wait3A_228 = arith.constant 0 : i32
    %dma_wait3A_229 = arith.constant 4096 : i32
    %dma_wait3A_230 = tpu.memref_slice %arg1[%dma_wait3A_224, %dma_wait3A_228, %dma_wait3A_229] : memref<2x64x16384xf32, #tpu.memory_space<hbm>> -> memref<1x64x4096xf32, #tpu.memory_space<hbm>>
    %dma_wait3A_231 = tpu.memref_squeeze %dma_wait3A_230 : memref<1x64x4096xf32, #tpu.memory_space<hbm>> -> memref<64x4096xf32, #tpu.memory_space<hbm>>
    %dma_wait3A_232 = arith.constant 0 : i32
    %dma_wait3A_233 = arith.constant 0 : i32
    %dma_wait3A_234 = tpu.memref_slice %arg3[%dma_wait3A_223, %dma_wait3A_232, %dma_wait3A_233] : memref<2x128x4096xf32, #tpu.memory_space<vmem>> -> memref<1x64x4096xf32, #tpu.memory_space<vmem>>
    %dma_wait3A_235 = tpu.memref_squeeze %dma_wait3A_234 : memref<1x64x4096xf32, #tpu.memory_space<vmem>> -> memref<64x4096xf32, #tpu.memory_space<vmem>>
    tpu.wait_dma2 semaphore(%dma_wait3A_227 : memref<!tpu.dma_semaphore, #tpu.memory_space<semaphore_mem>>) src(%dma_wait3A_235 : memref<64x4096xf32, #tpu.memory_space<vmem>>) dst(%dma_wait3A_231 : memref<64x4096xf32, #tpu.memory_space<hbm>>)
    %dma_wait3A_236 = arith.constant 1 : i32
    %dma_wait3A_237 = arith.constant 1 : i32
    %dma_wait3A_238 = arith.constant 1 : i32
    %dma_wait3A_239 = tpu.memref_slice %arg5[%dma_wait3A_238] : memref<2x!tpu.dma_semaphore, #tpu.memory_space<semaphore_mem>> -> memref<1x!tpu.dma_semaphore, #tpu.memory_space<semaphore_mem>>
    %dma_wait3A_240 = tpu.memref_squeeze %dma_wait3A_239 : memref<1x!tpu.dma_semaphore, #tpu.memory_space<semaphore_mem>> -> memref<!tpu.dma_semaphore, #tpu.memory_space<semaphore_mem>>
    %dma_wait3A_241 = arith.constant 0 : i32
    %dma_wait3A_242 = arith.constant 4096 : i32
    %dma_wait3A_243 = tpu.memref_slice %arg1[%dma_wait3A_237, %dma_wait3A_241, %dma_wait3A_242] : memref<2x64x16384xf32, #tpu.memory_space<hbm>> -> memref<1x64x4096xf32, #tpu.memory_space<hbm>>
    %dma_wait3A_244 = tpu.memref_squeeze %dma_wait3A_243 : memref<1x64x4096xf32, #tpu.memory_space<hbm>> -> memref<64x4096xf32, #tpu.memory_space<hbm>>
    %dma_wait3A_245 = arith.constant 64 : i32
    %dma_wait3A_246 = arith.constant 0 : i32
    %dma_wait3A_247 = tpu.memref_slice %arg3[%dma_wait3A_236, %dma_wait3A_245, %dma_wait3A_246] : memref<2x128x4096xf32, #tpu.memory_space<vmem>> -> memref<1x64x4096xf32, #tpu.memory_space<vmem>>
    %dma_wait3A_248 = tpu.memref_squeeze %dma_wait3A_247 : memref<1x64x4096xf32, #tpu.memory_space<vmem>> -> memref<64x4096xf32, #tpu.memory_space<vmem>>
    tpu.wait_dma2 semaphore(%dma_wait3A_240 : memref<!tpu.dma_semaphore, #tpu.memory_space<semaphore_mem>>) src(%dma_wait3A_248 : memref<64x4096xf32, #tpu.memory_space<vmem>>) dst(%dma_wait3A_244 : memref<64x4096xf32, #tpu.memory_space<hbm>>)
    %get3A_249 = arith.constant 1 : index
    %get3A_250 = arith.constant 0 : index
    %get3A_251 = arith.constant 0 : index
    %get3A_252 = vector.load %arg2[%get3A_249, %get3A_250, %get3A_251] : memref<2x4096x128xf32, #tpu.memory_space<vmem>>, vector<1x4096x128xf32>
    %get3A_253 = vector.shape_cast %get3A_252 : vector<1x4096x128xf32> to vector<4096x128xf32>
    %transpose3A_254 = tpu.transpose %get3A_253, [1, 0] : vector<4096x128xf32> -> vector<128x4096xf32>
    %swap3A_255 = arith.constant 1 : index
    %swap3A_256 = arith.constant 0 : index
    %swap3A_257 = arith.constant 0 : index
    %swap3A_258 = vector.load %arg3[%swap3A_255, %swap3A_256, %swap3A_257] : memref<2x128x4096xf32, #tpu.memory_space<vmem>>, vector<1x128x4096xf32>
    %swap3A_259 = vector.shape_cast %swap3A_258 : vector<1x128x4096xf32> to vector<128x4096xf32>
    %swap3A_260 = vector.shape_cast %transpose3A_254 : vector<128x4096xf32> to vector<1x128x4096xf32>
    tpu.vector_store %arg3[%swap3A_255, %swap3A_256, %swap3A_257], %swap3A_260 {strides = array<i32>} : memref<2x128x4096xf32, #tpu.memory_space<vmem>>, vector<1x128x4096xf32>,
    %dma_start3A_261 = arith.constant 1 : i32
    %dma_start3A_262 = arith.constant 0 : i32
    %dma_start3A_263 = arith.constant 1 : i32
    %dma_start3A_264 = tpu.memref_slice %arg5[%dma_start3A_263] : memref<2x!tpu.dma_semaphore, #tpu.memory_space<semaphore_mem>> -> memref<1x!tpu.dma_semaphore, #tpu.memory_space<semaphore_mem>>
    %dma_start3A_265 = tpu.memref_squeeze %dma_start3A_264 : memref<1x!tpu.dma_semaphore, #tpu.memory_space<semaphore_mem>> -> memref<!tpu.dma_semaphore, #tpu.memory_space<semaphore_mem>>
    %dma_start3A_266 = arith.constant 0 : i32
    %dma_start3A_267 = arith.constant 12288 : i32
    %dma_start3A_268 = tpu.memref_slice %arg1[%dma_start3A_262, %dma_start3A_266, %dma_start3A_267] : memref<2x64x16384xf32, #tpu.memory_space<hbm>> -> memref<1x64x4096xf32, #tpu.memory_space<hbm>>
    %dma_start3A_269 = tpu.memref_squeeze %dma_start3A_268 : memref<1x64x4096xf32, #tpu.memory_space<hbm>> -> memref<64x4096xf32, #tpu.memory_space<hbm>>
    %dma_start3A_270 = arith.constant 0 : i32
    %dma_start3A_271 = arith.constant 0 : i32
    %dma_start3A_272 = tpu.memref_slice %arg3[%dma_start3A_261, %dma_start3A_270, %dma_start3A_271] : memref<2x128x4096xf32, #tpu.memory_space<vmem>> -> memref<1x64x4096xf32, #tpu.memory_space<vmem>>
    %dma_start3A_273 = tpu.memref_squeeze %dma_start3A_272 : memref<1x64x4096xf32, #tpu.memory_space<vmem>> -> memref<64x4096xf32, #tpu.memory_space<vmem>>
    tpu.enqueue_dma source(%dma_start3A_273 : memref<64x4096xf32, #tpu.memory_space<vmem>>) target(%dma_start3A_269 : memref<64x4096xf32, #tpu.memory_space<hbm>>) target_semaphore(%dma_start3A_265 : memref<!tpu.dma_semaphore, #tpu.memory_space<semaphore_mem>>)
    %dma_start3A_274 = arith.constant 1 : i32
    %dma_start3A_275 = arith.constant 1 : i32
    %dma_start3A_276 = arith.constant 1 : i32
    %dma_start3A_277 = tpu.memref_slice %arg5[%dma_start3A_276] : memref<2x!tpu.dma_semaphore, #tpu.memory_space<semaphore_mem>> -> memref<1x!tpu.dma_semaphore, #tpu.memory_space<semaphore_mem>>
    %dma_start3A_278 = tpu.memref_squeeze %dma_start3A_277 : memref<1x!tpu.dma_semaphore, #tpu.memory_space<semaphore_mem>> -> memref<!tpu.dma_semaphore, #tpu.memory_space<semaphore_mem>>
    %dma_start3A_279 = arith.constant 0 : i32
    %dma_start3A_280 = arith.constant 12288 : i32
    %dma_start3A_281 = tpu.memref_slice %arg1[%dma_start3A_275, %dma_start3A_279, %dma_start3A_280] : memref<2x64x16384xf32, #tpu.memory_space<hbm>> -> memref<1x64x4096xf32, #tpu.memory_space<hbm>>
    %dma_start3A_282 = tpu.memref_squeeze %dma_start3A_281 : memref<1x64x4096xf32, #tpu.memory_space<hbm>> -> memref<64x4096xf32, #tpu.memory_space<hbm>>
    %dma_start3A_283 = arith.constant 64 : i32
    %dma_start3A_284 = arith.constant 0 : i32
    %dma_start3A_285 = tpu.memref_slice %arg3[%dma_start3A_274, %dma_start3A_283, %dma_start3A_284] : memref<2x128x4096xf32, #tpu.memory_space<vmem>> -> memref<1x64x4096xf32, #tpu.memory_space<vmem>>
    %dma_start3A_286 = tpu.memref_squeeze %dma_start3A_285 : memref<1x64x4096xf32, #tpu.memory_space<vmem>> -> memref<64x4096xf32, #tpu.memory_space<vmem>>
    tpu.enqueue_dma source(%dma_start3A_286 : memref<64x4096xf32, #tpu.memory_space<vmem>>) target(%dma_start3A_282 : memref<64x4096xf32, #tpu.memory_space<hbm>>) target_semaphore(%dma_start3A_278 : memref<!tpu.dma_semaphore, #tpu.memory_space<semaphore_mem>>)
    %dma_wait3A_287 = arith.constant 0 : i32
    %dma_wait3A_288 = arith.constant 0 : i32
    %dma_wait3A_289 = arith.constant 0 : i32
    %dma_wait3A_290 = tpu.memref_slice %arg5[%dma_wait3A_289] : memref<2x!tpu.dma_semaphore, #tpu.memory_space<semaphore_mem>> -> memref<1x!tpu.dma_semaphore, #tpu.memory_space<semaphore_mem>>
    %dma_wait3A_291 = tpu.memref_squeeze %dma_wait3A_290 : memref<1x!tpu.dma_semaphore, #tpu.memory_space<semaphore_mem>> -> memref<!tpu.dma_semaphore, #tpu.memory_space<semaphore_mem>>
    %dma_wait3A_292 = arith.constant 0 : i32
    %dma_wait3A_293 = arith.constant 8192 : i32
    %dma_wait3A_294 = tpu.memref_slice %arg1[%dma_wait3A_288, %dma_wait3A_292, %dma_wait3A_293] : memref<2x64x16384xf32, #tpu.memory_space<hbm>> -> memref<1x64x4096xf32, #tpu.memory_space<hbm>>
    %dma_wait3A_295 = tpu.memref_squeeze %dma_wait3A_294 : memref<1x64x4096xf32, #tpu.memory_space<hbm>> -> memref<64x4096xf32, #tpu.memory_space<hbm>>
    %dma_wait3A_296 = arith.constant 0 : i32
    %dma_wait3A_297 = arith.constant 0 : i32
    %dma_wait3A_298 = tpu.memref_slice %arg3[%dma_wait3A_287, %dma_wait3A_296, %dma_wait3A_297] : memref<2x128x4096xf32, #tpu.memory_space<vmem>> -> memref<1x64x4096xf32, #tpu.memory_space<vmem>>
    %dma_wait3A_299 = tpu.memref_squeeze %dma_wait3A_298 : memref<1x64x4096xf32, #tpu.memory_space<vmem>> -> memref<64x4096xf32, #tpu.memory_space<vmem>>
    tpu.wait_dma2 semaphore(%dma_wait3A_291 : memref<!tpu.dma_semaphore, #tpu.memory_space<semaphore_mem>>) src(%dma_wait3A_299 : memref<64x4096xf32, #tpu.memory_space<vmem>>) dst(%dma_wait3A_295 : memref<64x4096xf32, #tpu.memory_space<hbm>>)
    %dma_wait3A_300 = arith.constant 0 : i32
    %dma_wait3A_301 = arith.constant 1 : i32
    %dma_wait3A_302 = arith.constant 0 : i32
    %dma_wait3A_303 = tpu.memref_slice %arg5[%dma_wait3A_302] : memref<2x!tpu.dma_semaphore, #tpu.memory_space<semaphore_mem>> -> memref<1x!tpu.dma_semaphore, #tpu.memory_space<semaphore_mem>>
    %dma_wait3A_304 = tpu.memref_squeeze %dma_wait3A_303 : memref<1x!tpu.dma_semaphore, #tpu.memory_space<semaphore_mem>> -> memref<!tpu.dma_semaphore, #tpu.memory_space<semaphore_mem>>
    %dma_wait3A_305 = arith.constant 0 : i32
    %dma_wait3A_306 = arith.constant 8192 : i32
    %dma_wait3A_307 = tpu.memref_slice %arg1[%dma_wait3A_301, %dma_wait3A_305, %dma_wait3A_306] : memref<2x64x16384xf32, #tpu.memory_space<hbm>> -> memref<1x64x4096xf32, #tpu.memory_space<hbm>>
    %dma_wait3A_308 = tpu.memref_squeeze %dma_wait3A_307 : memref<1x64x4096xf32, #tpu.memory_space<hbm>> -> memref<64x4096xf32, #tpu.memory_space<hbm>>
    %dma_wait3A_309 = arith.constant 64 : i32
    %dma_wait3A_310 = arith.constant 0 : i32
    %dma_wait3A_311 = tpu.memref_slice %arg3[%dma_wait3A_300, %dma_wait3A_309, %dma_wait3A_310] : memref<2x128x4096xf32, #tpu.memory_space<vmem>> -> memref<1x64x4096xf32, #tpu.memory_space<vmem>>
    %dma_wait3A_312 = tpu.memref_squeeze %dma_wait3A_311 : memref<1x64x4096xf32, #tpu.memory_space<vmem>> -> memref<64x4096xf32, #tpu.memory_space<vmem>>
    tpu.wait_dma2 semaphore(%dma_wait3A_304 : memref<!tpu.dma_semaphore, #tpu.memory_space<semaphore_mem>>) src(%dma_wait3A_312 : memref<64x4096xf32, #tpu.memory_space<vmem>>) dst(%dma_wait3A_308 : memref<64x4096xf32, #tpu.memory_space<hbm>>)
    %dma_wait3A_313 = arith.constant 1 : i32
    %dma_wait3A_314 = arith.constant 0 : i32
    %dma_wait3A_315 = arith.constant 1 : i32
    %dma_wait3A_316 = tpu.memref_slice %arg5[%dma_wait3A_315] : memref<2x!tpu.dma_semaphore, #tpu.memory_space<semaphore_mem>> -> memref<1x!tpu.dma_semaphore, #tpu.memory_space<semaphore_mem>>
    %dma_wait3A_317 = tpu.memref_squeeze %dma_wait3A_316 : memref<1x!tpu.dma_semaphore, #tpu.memory_space<semaphore_mem>> -> memref<!tpu.dma_semaphore, #tpu.memory_space<semaphore_mem>>
    %dma_wait3A_318 = arith.constant 0 : i32
    %dma_wait3A_319 = arith.constant 12288 : i32
    %dma_wait3A_320 = tpu.memref_slice %arg1[%dma_wait3A_314, %dma_wait3A_318, %dma_wait3A_319] : memref<2x64x16384xf32, #tpu.memory_space<hbm>> -> memref<1x64x4096xf32, #tpu.memory_space<hbm>>
    %dma_wait3A_321 = tpu.memref_squeeze %dma_wait3A_320 : memref<1x64x4096xf32, #tpu.memory_space<hbm>> -> memref<64x4096xf32, #tpu.memory_space<hbm>>
    %dma_wait3A_322 = arith.constant 0 : i32
    %dma_wait3A_323 = arith.constant 0 : i32
    %dma_wait3A_324 = tpu.memref_slice %arg3[%dma_wait3A_313, %dma_wait3A_322, %dma_wait3A_323] : memref<2x128x4096xf32, #tpu.memory_space<vmem>> -> memref<1x64x4096xf32, #tpu.memory_space<vmem>>
    %dma_wait3A_325 = tpu.memref_squeeze %dma_wait3A_324 : memref<1x64x4096xf32, #tpu.memory_space<vmem>> -> memref<64x4096xf32, #tpu.memory_space<vmem>>
    tpu.wait_dma2 semaphore(%dma_wait3A_317 : memref<!tpu.dma_semaphore, #tpu.memory_space<semaphore_mem>>) src(%dma_wait3A_325 : memref<64x4096xf32, #tpu.memory_space<vmem>>) dst(%dma_wait3A_321 : memref<64x4096xf32, #tpu.memory_space<hbm>>)
    %dma_wait3A_326 = arith.constant 1 : i32
    %dma_wait3A_327 = arith.constant 1 : i32
    %dma_wait3A_328 = arith.constant 1 : i32
    %dma_wait3A_329 = tpu.memref_slice %arg5[%dma_wait3A_328] : memref<2x!tpu.dma_semaphore, #tpu.memory_space<semaphore_mem>> -> memref<1x!tpu.dma_semaphore, #tpu.memory_space<semaphore_mem>>
    %dma_wait3A_330 = tpu.memref_squeeze %dma_wait3A_329 : memref<1x!tpu.dma_semaphore, #tpu.memory_space<semaphore_mem>> -> memref<!tpu.dma_semaphore, #tpu.memory_space<semaphore_mem>>
    %dma_wait3A_331 = arith.constant 0 : i32
    %dma_wait3A_332 = arith.constant 12288 : i32
    %dma_wait3A_333 = tpu.memref_slice %arg1[%dma_wait3A_327, %dma_wait3A_331, %dma_wait3A_332] : memref<2x64x16384xf32, #tpu.memory_space<hbm>> -> memref<1x64x4096xf32, #tpu.memory_space<hbm>>
    %dma_wait3A_334 = tpu.memref_squeeze %dma_wait3A_333 : memref<1x64x4096xf32, #tpu.memory_space<hbm>> -> memref<64x4096xf32, #tpu.memory_space<hbm>>
    %dma_wait3A_335 = arith.constant 64 : i32
    %dma_wait3A_336 = arith.constant 0 : i32
    %dma_wait3A_337 = tpu.memref_slice %arg3[%dma_wait3A_326, %dma_wait3A_335, %dma_wait3A_336] : memref<2x128x4096xf32, #tpu.memory_space<vmem>> -> memref<1x64x4096xf32, #tpu.memory_space<vmem>>
    %dma_wait3A_338 = tpu.memref_squeeze %dma_wait3A_337 : memref<1x64x4096xf32, #tpu.memory_space<vmem>> -> memref<64x4096xf32, #tpu.memory_space<vmem>>
    tpu.wait_dma2 semaphore(%dma_wait3A_330 : memref<!tpu.dma_semaphore, #tpu.memory_space<semaphore_mem>>) src(%dma_wait3A_338 : memref<64x4096xf32, #tpu.memory_space<vmem>>) dst(%dma_wait3A_334 : memref<64x4096xf32, #tpu.memory_space<hbm>>)
    return
  }
}

module attributes {stable_mosaic.version = 14 : i64} {
  func.func @_tc_prep(%arg0: memref<4x128x128xf32, #tpu.memory_space<vmem>>, %arg1: memref<1000x64xf32, #tpu.memory_space<vmem>>, %arg2: memref<1x2x64xf32, #tpu.memory_space<vmem>>, %arg3: memref<128x128xi32, #tpu.memory_space<vmem>>, %arg4: memref<128x128xi32, #tpu.memory_space<vmem>>, %arg5: memref<1000x128xf32, #tpu.memory_space<vmem>>) attributes {dimension_semantics = [], scalar_prefetch = 0 : i64, scratch_operands = 0 : i64, tpu.core_type = #tpu.core_type<tc>} {
    %get3A = arith.constant 2 : index
    %get3A_0 = arith.constant 0 : index
    %get3A_1 = arith.constant 0 : index
    %get3A_2 = vector.load %arg0[%get3A, %get3A_0, %get3A_1] : memref<4x128x128xf32, #tpu.memory_space<vmem>>, vector<1x128x128xf32>
    %get3A_3 = vector.shape_cast %get3A_2 : vector<1x128x128xf32> to vector<128x128xf32>
    %get3A_4 = arith.constant 3 : index
    %get3A_5 = arith.constant 0 : index
    %get3A_6 = arith.constant 0 : index
    %get3A_7 = vector.load %arg0[%get3A_4, %get3A_5, %get3A_6] : memref<4x128x128xf32, #tpu.memory_space<vmem>>, vector<1x128x128xf32>
    %get3A_8 = vector.shape_cast %get3A_7 : vector<1x128x128xf32> to vector<128x128xf32>
    %div3A = arith.divf %get3A_3, %get3A_8 : vector<128x128xf32>
    %sqrt3A = math.sqrt %div3A : vector<128x128xf32>
    %mul3A = arith.constant 1.000000e+02 : f32
    %mul3A_9 = vector.broadcast %mul3A : f32 to vector<128x128xf32>
    %mul3A_10 = arith.mulf %mul3A_9, %sqrt3A : vector<128x128xf32>
    %convert_element_type3A = arith.fptosi %mul3A_10 : vector<128x128xf32> to vector<128x128xi32>
    %div3A_11 = arith.divf %get3A_8, %get3A_3 : vector<128x128xf32>
    %sqrt3A_12 = math.sqrt %div3A_11 : vector<128x128xf32>
    %mul3A_13 = arith.constant 1.000000e+02 : f32
    %mul3A_14 = vector.broadcast %mul3A_13 : f32 to vector<128x128xf32>
    %mul3A_15 = arith.mulf %mul3A_14, %sqrt3A_12 : vector<128x128xf32>
    %convert_element_type3A_16 = arith.fptosi %mul3A_15 : vector<128x128xf32> to vector<128x128xi32>
    %jit3A = arith.constant 0 : i32
    %jit3A_17 = arith.constant 999 : i32
    %max3A = vector.broadcast %jit3A : i32 to vector<128x128xi32>
    %max3A_18 = arith.maxsi %max3A, %convert_element_type3A : vector<128x128xi32>
    %min3A = vector.broadcast %jit3A_17 : i32 to vector<128x128xi32>
    %min3A_19 = arith.minsi %min3A, %max3A_18 : vector<128x128xi32>
    %mul3A_20 = arith.constant 2 : i32
    %mul3A_21 = vector.broadcast %mul3A_20 : i32 to vector<128x128xi32>
    %mul3A_22 = arith.muli %mul3A_21, %min3A_19 : vector<128x128xi32>
    %swap3A = arith.constant 0 : index
    %swap3A_23 = arith.constant 0 : index
    %swap3A_24 = vector.load %arg3[%swap3A, %swap3A_23] : memref<128x128xi32, #tpu.memory_space<vmem>>, vector<128x128xi32>
    tpu.vector_store %arg3[%swap3A, %swap3A_23], %mul3A_22 {strides = array<i32>} : memref<128x128xi32, #tpu.memory_space<vmem>>, vector<128x128xi32>,
    %jit3A_25 = arith.constant 0 : i32
    %jit3A_26 = arith.constant 999 : i32
    %max3A_27 = vector.broadcast %jit3A_25 : i32 to vector<128x128xi32>
    %max3A_28 = arith.maxsi %max3A_27, %convert_element_type3A_16 : vector<128x128xi32>
    %min3A_29 = vector.broadcast %jit3A_26 : i32 to vector<128x128xi32>
    %min3A_30 = arith.minsi %min3A_29, %max3A_28 : vector<128x128xi32>
    %mul3A_31 = arith.constant 2 : i32
    %mul3A_32 = vector.broadcast %mul3A_31 : i32 to vector<128x128xi32>
    %mul3A_33 = arith.muli %mul3A_32, %min3A_30 : vector<128x128xi32>
    %add3A = arith.constant 1 : i32
    %add3A_34 = vector.broadcast %add3A : i32 to vector<128x128xi32>
    %add3A_35 = arith.addi %mul3A_33, %add3A_34 : vector<128x128xi32>
    %swap3A_36 = arith.constant 0 : index
    %swap3A_37 = arith.constant 0 : index
    %swap3A_38 = vector.load %arg4[%swap3A_36, %swap3A_37] : memref<128x128xi32, #tpu.memory_space<vmem>>, vector<128x128xi32>
    tpu.vector_store %arg4[%swap3A_36, %swap3A_37], %add3A_35 {strides = array<i32>} : memref<128x128xi32, #tpu.memory_space<vmem>>, vector<128x128xi32>,
    %get3A_39 = arith.constant 0 : index
    %get3A_40 = arith.constant 0 : index
    %get3A_41 = vector.load %arg1[%get3A_39, %get3A_40] : memref<1000x64xf32, #tpu.memory_space<vmem>>, vector<1000x64xf32>
    %mul3A_42 = arith.mulf %get3A_41, %get3A_41 : vector<1000x64xf32>
    %reduce_sum3A = arith.constant dense<0.000000e+00> : vector<1000xf32>
    %reduce_sum3A_43 = vector.multi_reduction <add>, %mul3A_42, %reduce_sum3A [1] : vector<1000x64xf32> to vector<1000xf32>
    %broadcast_in_dim3A = vector.shape_cast %reduce_sum3A_43 : vector<1000xf32> to vector<1000x1xf32>
    %sqrt3A_44 = math.sqrt %broadcast_in_dim3A : vector<1000x1xf32>
    %gt3A = arith.constant 1.000000e+00 : f32
    %gt3A_45 = vector.broadcast %gt3A : f32 to vector<1000x1xf32>
    %gt3A_46 = arith.cmpf ogt, %sqrt3A_44, %gt3A_45 : vector<1000x1xf32>
    %add3A_47 = arith.constant 1.000000e-07 : f32
    %add3A_48 = vector.broadcast %add3A_47 : f32 to vector<1000x1xf32>
    %add3A_49 = arith.addf %sqrt3A_44, %add3A_48 : vector<1000x1xf32>
    %div3A_50 = arith.constant 1.000000e+00 : f32
    %div3A_51 = vector.broadcast %div3A_50 : f32 to vector<1000x1xf32>
    %div3A_52 = arith.divf %div3A_51, %add3A_49 : vector<1000x1xf32>
    %broadcast_in_dim3A_53 = arith.constant 1.000000e+00 : f32
    %broadcast_in_dim3A_54 = vector.broadcast %broadcast_in_dim3A_53 : f32 to vector<1000x1xf32>
    %select_n3A = arith.select %gt3A_46, %div3A_52, %broadcast_in_dim3A_54 : vector<1000x1xi1>, vector<1000x1xf32>
    %mul3A_55 = vector.broadcast %select_n3A : vector<1000x1xf32> to vector<1000x64xf32>
    %mul3A_56 = arith.mulf %get3A_41, %mul3A_55 : vector<1000x64xf32>
    %get3A_57 = arith.constant 0 : index
    %get3A_58 = arith.constant 0 : index
    %get3A_59 = arith.constant 0 : index
    %get3A_60 = vector.load %arg2[%get3A_57, %get3A_58, %get3A_59] : memref<1x2x64xf32, #tpu.memory_space<vmem>>, vector<1x2x64xf32>
    %slice3A = vector.extract_strided_slice %get3A_60 {offsets = [0, 0, 0], sizes = [1, 1, 64], strides = [1, 1, 1]} : vector<1x2x64xf32> to vector<1x1x64xf32>
    %squeeze3A = vector.shape_cast %slice3A : vector<1x1x64xf32> to vector<64xf32>
    %broadcast_in_dim3A_61 = vector.shape_cast %squeeze3A : vector<64xf32> to vector<1x64xf32>
    %add3A_62 = vector.broadcast %broadcast_in_dim3A_61 : vector<1x64xf32> to vector<1000x64xf32>
    %add3A_63 = arith.addf %mul3A_56, %add3A_62 : vector<1000x64xf32>
    %swap3A_64 = arith.constant 0 : index
    %swap3A_65 = arith.constant 0 : index
    %swap3A_66 = vector.load %arg5[%swap3A_64, %swap3A_65] : memref<1000x128xf32, #tpu.memory_space<vmem>>, vector<1000x64xf32>
    tpu.vector_store %arg5[%swap3A_64, %swap3A_65], %add3A_63 {strides = array<i32>} : memref<1000x128xf32, #tpu.memory_space<vmem>>, vector<1000x64xf32>,
    %slice3A_67 = vector.extract_strided_slice %get3A_60 {offsets = [0, 1, 0], sizes = [1, 1, 64], strides = [1, 1, 1]} : vector<1x2x64xf32> to vector<1x1x64xf32>
    %squeeze3A_68 = vector.shape_cast %slice3A_67 : vector<1x1x64xf32> to vector<64xf32>
    %broadcast_in_dim3A_69 = vector.shape_cast %squeeze3A_68 : vector<64xf32> to vector<1x64xf32>
    %add3A_70 = vector.broadcast %broadcast_in_dim3A_69 : vector<1x64xf32> to vector<1000x64xf32>
    %add3A_71 = arith.addf %mul3A_56, %add3A_70 : vector<1000x64xf32>
    %swap3A_72 = arith.constant 0 : index
    %swap3A_73 = arith.constant 64 : index
    %swap3A_74 = vector.load %arg5[%swap3A_72, %swap3A_73] : memref<1000x128xf32, #tpu.memory_space<vmem>>, vector<1000x64xf32>
    tpu.vector_store %arg5[%swap3A_72, %swap3A_73], %add3A_71 {strides = array<i32>} : memref<1000x128xf32, #tpu.memory_space<vmem>>, vector<1000x64xf32>,
    return
  }
}

</mosaic_0001>

<sc_bundles>
// kernel: kernel.5.cloned.1.call-start
scs
__scs_entry_jumppad:
0x0: {  	(pc) =	sbr.rel $0x88, $3  }
0x1: {  	(tag) =	ssettag $0x0;
	lr =	simm.s32 $0x1  }
0x2: {  	[smem:$0x3F9E] =	sst lr;
	_ =	strace $0xD0000000  }
0x3: {  	_ = 	snop  }
0x4: {  	_ = 	snop  }
0x5: {  	_ = 	snop  }
0x6: {  	_ = 	snop  }
0x7: {  	_ = 	snop  }
__scs_overlays_trampoline_lowered:
0x8: {  	[smem:$0x3FAD] =	sst s0  }
0x9: {  	[smem:$0x3FAE] =	sst s1  }
0xa: {  	[smem:$0x3FAF] =	sst s2  }
0xb: {  	[smem:$0x3FB0] =	sst s3  }
0xc: {  	[smem:$0x3FB1] =	sst s4  }
0xd: {  	[smem:$0x3FB2] =	sst s5  }
0xe: {  	[smem:$0x3FB3] =	sst s6  }
0xf: {  	[smem:$0x3FB4] =	sst s7  }
0x10: {  	[smem:$0x3FB5] =	sst s8  }
0x11: {  	[smem:$0x3FB6] =	sst s9;
	s0 =	simm.s32 @!p0 $0x0  }
0x12: {  	s1 =	sld [smem:$0x3F9C];
	s0 =	simm.s32 @p0 $0x1  }
0x13: {  	[smem:$0x3FB7] =	sst s0;
	s0 =	simm.s32 @!p1 $0x0  }
0x14: {  	s2 =	sld [smem:$0x3F9B];
	s0 =	simm.s32 @p1 $0x1  }
0x15: {  	[smem:$0x3FB8] =	sst s0;
	s0 =	simm.s32 @!p2 $0x0  }
0x16: {  	s3 =	sld [smem:$0x3FDB];
	s0 =	simm.s32 @p2 $0x1  }
0x17: {  	s4 =	simm.s32 $0x1BF5;
	[smem:$0x3FBA] =	sst s0  }
0x18: {  	s0 =	sld [smem:$0x3F9D];
	_ =	swait.ge [sflag:s4], $0x0  }
0x19: {  	s7 =	sld [smem:$0x3F9E]  }
0x1a: {  	s8 =	sadd.s32 $0xFFFFE003, lr  }
0x1b: {  	s9 =	sadd.s32 $0xFFFFFEF7, lr;
	s5 =	simm.s32 $0xFFFFFFFF;
	p2 =	slt.u32 s8, $0xFFFFF086  }
0x1c: {  	p1 =	slt.u32 s9, $0xF7A;
	s5 =	simm.s32 @!p2 $0x0  }
0x1d: {  	s5 =	simm.s32 @p1 $0x1;
	p0 =	seq.s32 s7, s2  }
0x1e: {  	s7 =	smul.u32 @!p0 $0xF7A, s2;
	p2 =	seq.s32 @!p0 s5, $0x0  }
0x1f: {  	s9 =	smul.u32 $0xF7A, s1;
	s8 =	simm.s32 @!p0 $0x1BF5;
	p2 =	por !p2, p0  }
0x20: {  	[sflag:s8] =	ssyncset.s32 @!p0 $0xFFFFF086;
	s6 =	sadd.s32 @!p0 s3, s7;
	s7 =	simm.s32 @!p0 $0x108  }
0x21: {  	s3 =	sadd.s32 s3, s9;
	s6 =	sadd.s32 @!p0 $0x88, s6;
	s7 =	simm.s32 @p2 $0x1082  }
0x22: {  	[simem:s7], [sflag:s8] =	dma.local @!p0 [hbm:s6], $0xF7A  }
0x23: {  	s9 =	sor.u32 $0xD0000000, s2;
	s6 =	simm.s32 $0x108;
	_ =	swait.ge @!p0 [sflag:s8], $0x0  }
0x24: {  	s3 =	sadd.s32 $0x88, s3;
	s6 =	simm.s32 @!p1 $0x1082;
	[sflag:s4] =	ssyncset.s32 $0xFFFFF086  }
0x25: {  	[simem:s6], [sflag:s4] =	dma.local [hbm:s3], $0xF7A  }
0x26: {  	[smem:$0x3F9E] =	sst s1;
	(tag) =	ssettag s2;
	_ =	strace s9  }
0x27: {  	s1 =	sld [smem:$0x3FAE]  }
0x28: {  	s2 =	sld [smem:$0x3FAF]  }
0x29: {  	s4 =	sld [smem:$0x3FB1]  }
0x2a: {  	p0 =	seq.s32 s5, $0x0;
	s5 =	sld [smem:$0x3FB2]  }
0x2b: {  	s6 =	sld [smem:$0x3FB3]  }
0x2c: {  	s7 =	sld [smem:$0x3FB4]  }
0x2d: {  	s3 =	simm.s32 $0x108;
	s8 =	sld [smem:$0x3FB5]  }
0x2e: {  	s3 =	simm.s32 @!p0 $0x1082;
	s9 =	sld [smem:$0x3FB6]  }
0x2f: {  	lr =	sadd.s32 s0, s3;
	s0 =	sld [smem:$0x3FAD]  }
0x30: {  	s3 =	sld [smem:$0x3FB0]  }
0x31: {  	[smem:$0x3FB9] =	sst s10  }
0x32: {  	s10 =	sld [smem:$0x3FB7];
	_ =	sdelay $0x3  }
0x33: {  	p0 =	seq.s32 s10, $0x1;
	s10 =	sld [smem:$0x3FB9];
	_ =	sdelay $0x3  }
0x34: {  	[smem:$0x3FB9] =	sst s10  }
0x35: {  	s10 =	sld [smem:$0x3FB8];
	_ =	sdelay $0x3  }
0x36: {  	p1 =	seq.s32 s10, $0x1;
	s10 =	sld [smem:$0x3FB9];
	_ =	sdelay $0x3  }
0x37: {  	[smem:$0x3FB9] =	sst s10  }
0x38: {  	s10 =	sld [smem:$0x3FBA]  }
0x39: {  	_ = 	snop;
	(pc) =	sbr.ind lr, $3  }
0x3a: {  	_ = 	snop  }
0x3b: {  	_ = 	snop  }
0x3c: {  	p2 =	seq.s32 s10, $0x1;
	s10 =	sld [smem:$0x3FB9]  }
0x3d: {  	_ =	shalt  }
0x3e: {  	_ =	shalt  }
0x3f: {  	_ =	shalt  }
0x40: {  	_ =	shalt  }
0x41: {  	_ =	shalt  }
0x42: {  	_ =	shalt  }
0x43: {  	_ =	shalt  }
0x44: {  	_ =	shalt  }
0x45: {  	_ =	shalt  }
0x46: {  	_ =	shalt  }
0x47: {  	_ =	shalt  }
0x48: {  	_ =	shalt  }
0x49: {  	_ =	shalt  }
0x4a: {  	_ =	shalt  }
0x4b: {  	_ =	shalt  }
0x4c: {  	_ =	shalt  }
0x4d: {  	_ =	shalt  }
0x4e: {  	_ =	shalt  }
0x4f: {  	_ =	shalt  }
0x50: {  	_ =	shalt  }
0x51: {  	_ =	shalt  }
0x52: {  	_ =	shalt  }
0x53: {  	_ =	shalt  }
0x54: {  	_ =	shalt  }
0x55: {  	_ =	shalt  }
0x56: {  	_ =	shalt  }
0x57: {  	_ =	shalt  }
0x58: {  	_ =	shalt  }
0x59: {  	_ =	shalt  }
0x5a: {  	_ =	shalt  }
0x5b: {  	_ =	shalt  }
0x5c: {  	_ =	shalt  }
0x5d: {  	_ =	shalt  }
0x5e: {  	_ =	shalt  }
0x5f: {  	_ =	shalt  }
0x60: {  	_ =	shalt  }
0x61: {  	_ =	shalt  }
0x62: {  	_ =	shalt  }
0x63: {  	_ =	shalt  }
0x64: {  	_ =	shalt  }
0x65: {  	_ =	shalt  }
0x66: {  	_ =	shalt  }
0x67: {  	_ =	shalt  }
0x68: {  	_ =	shalt  }
0x69: {  	_ =	shalt  }
0x6a: {  	_ =	shalt  }
0x6b: {  	_ =	shalt  }
0x6c: {  	_ =	shalt  }
0x6d: {  	_ =	shalt  }
0x6e: {  	_ =	shalt  }
0x6f: {  	_ =	shalt  }
0x70: {  	_ =	shalt  }
0x71: {  	_ =	shalt  }
0x72: {  	_ =	shalt  }
0x73: {  	_ =	shalt  }
0x74: {  	_ =	shalt  }
0x75: {  	_ =	shalt  }
0x76: {  	_ =	shalt  }
0x77: {  	_ =	shalt  }
0x78: {  	_ =	shalt  }
0x79: {  	_ =	shalt  }
0x7a: {  	_ =	shalt  }
0x7b: {  	_ =	shalt  }
0x7c: {  	_ =	shalt  }
0x7d: {  	_ =	shalt  }
0x7e: {  	_ =	shalt  }
0x7f: {  	_ =	shalt  }
0x80: {  	_ =	shalt  }
0x81: {  	_ =	shalt  }
0x82: {  	_ =	shalt  }
0x83: {  	_ =	shalt  }
0x84: {  	_ =	shalt  }
0x85: {  	_ =	shalt  }
0x86: {  	_ =	shalt  }
0x87: {  	_ =	shalt  }
.Lfunc_end0:
.L_simem_size_0:
called_computation_lowered:
.L_overlay_start_0:
0x88: {  	s2 =	sld [smem:$0x3FD9]  }
0x89: {  	s3 =	sld [smem:$0x3FFE];
	_ =	sdelay $0x1  }
0x8a: {  	s1 =	srdreg.scid  }
0x8b: {  	s0 =	sand.u32 $0x1, s1  }
0x8c: {  	s17 =	sshll.u32 s0, $0xA;
	s2 =	sadd.s32 s3, s2  }
0x8d: {  	s2 =	sadd.s32 s2, s17  }
0x8e: {  	[smem:$0x3FC5] =	sst s2  }
0x8f: {  	_ = 	snop  }
0x90: {  	s2 =	sld [smem:$0x3FD0];
	(tm) =	ssettm $0x1  }
0x91: {  	s18 =	sld [smem:$0x3FFB];
	_ =	sdelay $0x3  }
0x92: {  	_ =	strace s18  }
0x93: {  	s3 =	sld [smem:$0x3FFC];
	_ =	sdelay $0x3  }
0x94: {  	_ =	strace s3  }
0x95: {  	s3 =	sld [smem:$0x3FFD];
	_ =	sdelay $0x3  }
0x96: {  	_ =	strace s3  }
0x97: {  	_ =	strace $0x8FFFFFFF  }
0x98: {  	s19 =	sld [smem:$0x3FDB];
	_ =	sdelay $0x1  }
0x99: {  	s4 =	simm.s32 $_scs_section_size  }
0x9a: {  	s5 =	simm.s32 $_size__tile_overlayer_lowered;
	s6 =	simm.s32 $_tile_overlayer_lowered  }
0x9b: {  	s22 =	simm.s32 $0x1BFF;
	s21 =	sshll.u32 s6, $0x1;
	s3 =	sadd.s32 s4, s19  }
0x9c: {  	s7 =	simm.s32 $0x0;
	s20 =	sshll.u32 s5, $0x1;
	s5 =	sadd.s32 s21, s3  }
0x9d: {  	[timem:s7], [sflag:s22] =	dma.local [hbm:s5], s20  }
0x9e: {  	_ =	swait.ge [sflag:s22], s20  }
0x9f: {  	s4 =	ssub.s32 $0x0, s20;
	[sflag:s22] =	ssyncset.done $0x0  }
0xa0: {  	[sflag:s22] =	ssyncadd.s32 s4;
	_ =	sdelay $0x1  }
0xa1: {  	s23 =	simm.s32 $0x1B8B  }
0xa2: {  	_ =	swait.ge [sflag:s23], $0x1  }
0xa3: {  	[sflag:s23] =	ssyncset.done $0x0  }
0xa4: {  	s25 =	simm.s32 $0x1B8E;
	s24 =	sld [smem:$0x3FFE];
	[sflag:s23] =	ssyncadd.s32 $0xFFFFFFFF  }
0xa5: {  	s26 =	simm.s32 $execute0_lowered;
	[smem:$0x3FD2] =	sst s25  }
0xa6: {  	s5 =	sshll.u32 s26, $0x1;
	_ =	strace $0x80000046;
	[dreg:$0x1] =	wrdreg $0xFFFFFFFF  }
0xa7: {  	s28 =	simm.s32 $_size_execute0_lowered;
	s3 =	sadd.s32 s3, s5;
	[dreg:$0x0] =	wrdreg $0x0  }
0xa8: {  	s5 =	sshll.u32 s28, $0x1;
	[dreg:$0x2] =	wrdreg s3  }
0xa9: {  	[dreg:$0x3] =	wrdreg s5  }
0xaa: {  	[dreg:$0x4] =	wrdreg $0xC0  }
0xab: {  	_ =	task [dreg:s7], $0x5FFFF  }
0xac: {  	[dreg:$0x1] =	wrdreg $0xFFFFFFFF  }
0xad: {  	[dreg:$0x0] =	wrdreg $0x60  }
0xae: {  	[dreg:$0x2] =	wrdreg s24  }
0xaf: {  	[dreg:$0x3] =	wrdreg s2  }
0xb0: {  	[dreg:$0x4] =	wrdreg $0x108000  }
0xb1: {  	[dreg:$0x5] =	wrdreg $0x9  }
0xb2: {  	_ =	task.clear_ibuf [dreg:s7], $0x6FFFF;
	_ =	strace $0x90000046  }
0xb3: {  	s29 =	simm.s32 $0x9;
	_ =	strace $0x80000048  }
0xb4: {  	_ =	swait.ge [sflag:s29], $0x1  }
0xb5: {  	[sflag:s29] =	ssyncadd.s32 $0xFFFFFFFF  }
0xb6: {  	_ =	strace $0x90000048  }
0xb7: {  	_ =	sfence  }
0xb8: {  	s30 =	sld [smem:$0x0];
	_ =	sdelay $0x2  }
0xb9: {  	s31 =	sshll.u32 s1, $0xD;
	s1 =	sshrl.u32 s1, $0x2  }
0xba: {  	s3 =	sand.u32 $0x4000, s31;
	s1 =	sadd.s32 s1, s30  }
0xbb: {  	s0 =	sor.u32 s3, s0;
	s1 =	sshll.u32 s1, $0x11  }
0xbc: {  	s0 =	sor.u32 s1, s0  }
0xbd: {  	s0 =	sadd.s32 $0x8F2B, s0  }
0xbe: {  	[sflag:s0] =	ssyncadd.remote.s32 $0x1  }
0xbf: {  	_ =	sfence.sel $0xFFFF  }
0xc0: {  	[dreg:$0x0] =	wrdreg $0xFFFFFFFF;
	(pc) =	sbr.abs _section_cstart, $3  }
0xc1: {  	[dreg:$0x1] =	wrdreg $0xFFFFFFFF  }
0xc2: {  	_ =	task.clear_ibuf [dreg:s7], $0x2FFFF;
	_ =	strace $0x9FFFFFFF  }
0xc3: {  	(tm) =	ssettm $0x7FFFFFFF  }
tec
execute0_lowered:
.L_overlay_start_1:
0x0: {  	(tag) =	ssettag $0x1  }
0x1: {  	v0 =	vlaneseq.u32  }
0x2: {  	v0 =	vmul.u32 $0x2, v0;
	_ =	sdelay $0x1  }
0x3: {  	v1 =	vor.u32 $0x1, v0  }
0x4: {  	v3 =	vor.u32 $0x21, v0;
	v4 =	vor.u32 $0x40, v0;
	v5 =	vor.u32 $0x41, v0  }
0x5: {  	v6 =	vor.u32 $0x60, v0;
	v7 =	vor.u32 $0x61, v0;
	v8 =	vor.u32 $0x80, v0  }
0x6: {  	s0 =	rddreg [dreg:$0x0];
	v9 =	vor.u32 $0x81, v0;
	v10 =	vor.u32 $0xA0, v0;
	v11 =	vor.u32 $0xA1, v0  }
0x7: {  	s7 =	rddreg [dreg:$0x1];
	v12 =	vor.u32 $0xC0, v0;
	v13 =	vor.u32 $0xC1, v0;
	v14 =	vor.u32 $0xE0, v0  }
0x8: {  	s1 =	rddreg [dreg:$0x2];
	s2 =	simm.s32 $0x0;
	v15 =	vor.u32 $0xE1, v0;
	v16 =	vor.u32 $0x100, v0;
	v17 =	vor.u32 $0x101, v0  }
0x9: {  	s3 =	stileid.u32;
	s4 =	srdreg.scid;
	s11 =	simm.s32 $0x3;
	v18 =	vor.u32 $0x120, v0;
	v19 =	vor.u32 $0x121, v0;
	v20 =	vor.u32 $0x140, v0  }
0xa: {  	s12 =	simm.s32 $0x200;
	s13 =	simm.s32 $0x400;
	s14 =	simm.s32 $0x2;
	v21 =	vor.u32 $0x141, v0;
	v22 =	vor.u32 $0x160, v0;
	v23 =	vor.u32 $0x161, v0  }
0xb: {  	s15 =	simm.s32 $0x80;
	s16 =	simm.s32 $0x800;
	s17 =	simm.s32 $0x480;
	v24 =	vor.u32 $0x180, v0;
	v25 =	vor.u32 $0x181, v0;
	v26 =	vor.u32 $0x1A0, v0  }
0xc: {  	s18 =	simm.s32 $0x2800;
	s19 =	simm.s32 $0x500;
	s20 =	simm.s32 $0x4800;
	v27 =	vor.u32 $0x1A1, v0;
	v28 =	vor.u32 $0x1C0, v0;
	v29 =	vor.u32 $0x1C1, v0  }
0xd: {  	s21 =	simm.s32 $0x580;
	s28 =	simm.s32 $0x700;
	s29 =	simm.s32 $0xC800;
	v30 =	vor.u32 $0x1E0, v0;
	v31 =	vor.u32 $0x1E1, v0;
	v32 =	vor.u32 $0x200, v0  }
0xe: {  	s30 =	simm.s32 $0x780;
	s31 =	simm.s32 $0xE800;
	[smem:$0x7FF] =	sst s2;
	v33 =	vor.u32 $0x201, v0;
	v34 =	vor.u32 $0x220, v0;
	v35 =	vor.u32 $0x221, v0  }
0xf: {  	s5 =	smul.u32 $0x1F40, s3;
	s4 =	sand.u32 $0x1, s4;
	s6 =	sshll.u32 s3, $0x1;
	v36 =	vor.u32 $0x240, v0;
	v37 =	vor.u32 $0x241, v0;
	v38 =	vor.u32 $0x260, v0  }
0x10: {  	s25 =	sshll.u32 s3, $0x6;
	s6 =	sor.u32 s4, s6;
	s4 =	ssub.s32 $0x2, s4;
	v39 =	vor.u32 $0x261, v0;
	v40 =	vor.u32 $0x280, v0;
	v41 =	vor.u32 $0x281, v0  }
0x11: {  	s8 =	sshrl.u32 s5, $0x3;
	s9 =	sshll.u32 s6, $0x6;
	s10 =	sshrl.u32 s4, $0x1;
	v42 =	vor.u32 $0x2A0, v0;
	v43 =	vor.u32 $0x2A1, v0;
	v44 =	vor.u32 $0x2C0, v0  }
0x12: {  	s23 =	sadd.s32 s5, s1;
	s26 =	sshll.u32 s6, $0xD;
	v45 =	vor.u32 $0x2C1, v0;
	v46 =	vor.u32 $0x2E0, v0;
	v47 =	vor.u32 $0x2E1, v0;
	s8 =	sadd.s32 s8, s0  }
0x13: {  	v48 =	vor.u32 $0x300, v0;
	v49 =	vor.u32 $0x301, v0;
	v50 =	vor.u32 $0x320, v0;
	s0 =	sadd.s32 s9, s0;
	s22 =	ssub.s32 s4, s10;
	s4 =	sor.u32 $0x1C02, s25  }
0x14: {  	v51 =	vor.u32 $0x321, v0;
	v52 =	vor.u32 $0x340, v0;
	v53 =	vor.u32 $0x341, v0;
	s7 =	sadd.s32 s7, s26;
	s10 =	sshrl.u32 s23, $0x3;
	s23 =	simm.s32 $0x600  }
0x15: {  	v54 =	vor.u32 $0x360, v0;
	v55 =	vor.u32 $0x361, v0;
	v56 =	vor.u32 $0x380, v0;
	s25 =	simm.s32 $0x680;
	s26 =	simm.s32 $0xA800;
	s24 =	sadd.s32 $0x1000, s8  }
0x16: {  	v57 =	vor.u32 $0x381, v0;
	[tilespmem:$0x1FFE0] =	vst v1;
	v1 =	vor.u32 $0x20, v0;
	s5 =	sadd.s32 $0x5000, s0;
	s6 =	sadd.s32 $0x5800, s0;
	s8 =	sadd.s32 $0x1000, s7  }
0x17: {  	v58 =	vor.u32 $0x3A0, v0;
	v59 =	vor.u32 $0x3A1, v0;
	v60 =	vor.u32 $0x3C0, v0;
	[tilespmem:$0x1FFF0] =	vst v1;
	s9 =	smax.u32 s22, $0x1;
	s22 =	simm.s32 $0x6800;
	s0 =	simm.s32 $0x1  }
0x18: {  	v61 =	vor.u32 $0x3C1, v0;
	v62 =	vor.u32 $0x3E0, v0;
	v63 =	vor.u32 $0x3E1, v0;
	_ =	strace $0x80000047;
	[dreg:$0x4] =	wrdreg s24;
	s24 =	simm.s32 $0x8800  }
.LBB2_1:
0x19: {  	s3 =	rddreg [dreg:$0x4]  }
0x1a: {  	[spmem:s10], [sflag:s4] =	dma.local [hbm:s3], $0x3E8  }
0x1b: {  	[tilespmem:s2], [sflag:$0x3] =	stream.linear.gather [hbm4b:s5+s2], $0x200, $0x38;
	[tilespmem:$0x12740] =	vst v63  }
0x1c: {  	_ =	swait.ge [sflag:s11], $0x200  }
0x1d: {  	[sflag:s11] =	ssyncset.done $0x0  }
0x1e: {  	[sflag:s11] =	ssyncadd.s32 $0xFFFFFE00  }
0x1f: {  	[tilespmem:s12], [sflag:$0x3] =	stream.linear.gather [hbm4b:s6+s2], $0x200, $0x38;
	[tilespmem:$0x12740] =	vst v63  }
0x20: {  	_ =	swait.ge [sflag:s11], $0x200  }
0x21: {  	[sflag:s11] =	ssyncset.done $0x0  }
0x22: {  	[sflag:s11] =	ssyncadd.s32 $0xFFFFFE00  }
0x23: {  	v1 =	vld [tilespmem:$0x0];
	_ =	sdelay $0x2  }
0x24: {  	v2 =	vld [tilespmem:$0x1FFE0];
	_ =	sdelay $0x1  }
0x25: {  	[tilespmem:v0+s13+$0x0] =	vst.idx.msk $0xffff, v1  }
0x26: {  	v1 =	vld [tilespmem:$0x200];
	_ =	sdelay $0x4  }
0x27: {  	[tilespmem:v2+s13+$0x0] =	vst.idx.msk $0xffff, v1;
	v2 =	vld [tilespmem:$0x1FFF0];
	_ =	sdelay $0x2  }
0x28: {  	v1 =	vld [tilespmem:$0x10];
	_ =	sdelay $0x4  }
0x29: {  	[tilespmem:v2+s13+$0x0] =	vst.idx.msk $0xffff, v1  }
0x2a: {  	v1 =	vld [tilespmem:$0x210];
	_ =	sdelay $0x4  }
0x2b: {  	[tilespmem:v3+s13+$0x0] =	vst.idx.msk $0xffff, v1  }
0x2c: {  	v1 =	vld [tilespmem:$0x20];
	_ =	sdelay $0x4  }
0x2d: {  	[tilespmem:v4+s13+$0x0] =	vst.idx.msk $0xffff, v1  }
0x2e: {  	v1 =	vld [tilespmem:$0x220];
	_ =	sdelay $0x4  }
0x2f: {  	[tilespmem:v5+s13+$0x0] =	vst.idx.msk $0xffff, v1  }
0x30: {  	v1 =	vld [tilespmem:$0x30];
	_ =	sdelay $0x4  }
0x31: {  	[tilespmem:v6+s13+$0x0] =	vst.idx.msk $0xffff, v1  }
0x32: {  	v1 =	vld [tilespmem:$0x230];
	_ =	sdelay $0x4  }
0x33: {  	[tilespmem:v7+s13+$0x0] =	vst.idx.msk $0xffff, v1  }
0x34: {  	v1 =	vld [tilespmem:$0x40];
	_ =	sdelay $0x4  }
0x35: {  	[tilespmem:v8+s13+$0x0] =	vst.idx.msk $0xffff, v1  }
0x36: {  	v1 =	vld [tilespmem:$0x240];
	_ =	sdelay $0x4  }
0x37: {  	[tilespmem:v9+s13+$0x0] =	vst.idx.msk $0xffff, v1  }
0x38: {  	v1 =	vld [tilespmem:$0x50];
	_ =	sdelay $0x4  }
0x39: {  	[tilespmem:v10+s13+$0x0] =	vst.idx.msk $0xffff, v1  }
0x3a: {  	v1 =	vld [tilespmem:$0x250];
	_ =	sdelay $0x4  }
0x3b: {  	[tilespmem:v11+s13+$0x0] =	vst.idx.msk $0xffff, v1  }
0x3c: {  	v1 =	vld [tilespmem:$0x60];
	_ =	sdelay $0x4  }
0x3d: {  	[tilespmem:v12+s13+$0x0] =	vst.idx.msk $0xffff, v1  }
0x3e: {  	v1 =	vld [tilespmem:$0x260];
	_ =	sdelay $0x4  }
0x3f: {  	[tilespmem:v13+s13+$0x0] =	vst.idx.msk $0xffff, v1  }
0x40: {  	v1 =	vld [tilespmem:$0x70];
	_ =	sdelay $0x4  }
0x41: {  	[tilespmem:v14+s13+$0x0] =	vst.idx.msk $0xffff, v1  }
0x42: {  	v1 =	vld [tilespmem:$0x270];
	_ =	sdelay $0x4  }
0x43: {  	[tilespmem:v15+s13+$0x0] =	vst.idx.msk $0xffff, v1  }
0x44: {  	v1 =	vld [tilespmem:$0x80];
	_ =	sdelay $0x4  }
0x45: {  	[tilespmem:v16+s13+$0x0] =	vst.idx.msk $0xffff, v1  }
0x46: {  	v1 =	vld [tilespmem:$0x280];
	_ =	sdelay $0x4  }
0x47: {  	[tilespmem:v17+s13+$0x0] =	vst.idx.msk $0xffff, v1  }
0x48: {  	v1 =	vld [tilespmem:$0x90];
	_ =	sdelay $0x4  }
0x49: {  	[tilespmem:v18+s13+$0x0] =	vst.idx.msk $0xffff, v1  }
0x4a: {  	v1 =	vld [tilespmem:$0x290];
	_ =	sdelay $0x4  }
0x4b: {  	[tilespmem:v19+s13+$0x0] =	vst.idx.msk $0xffff, v1  }
0x4c: {  	v1 =	vld [tilespmem:$0xA0];
	_ =	sdelay $0x4  }
0x4d: {  	[tilespmem:v20+s13+$0x0] =	vst.idx.msk $0xffff, v1  }
0x4e: {  	v1 =	vld [tilespmem:$0x2A0];
	_ =	sdelay $0x4  }
0x4f: {  	[tilespmem:v21+s13+$0x0] =	vst.idx.msk $0xffff, v1  }
0x50: {  	v1 =	vld [tilespmem:$0xB0];
	_ =	sdelay $0x4  }
0x51: {  	[tilespmem:v22+s13+$0x0] =	vst.idx.msk $0xffff, v1  }
0x52: {  	v1 =	vld [tilespmem:$0x2B0];
	_ =	sdelay $0x4  }
0x53: {  	[tilespmem:v23+s13+$0x0] =	vst.idx.msk $0xffff, v1  }
0x54: {  	v1 =	vld [tilespmem:$0xC0];
	_ =	sdelay $0x4  }
0x55: {  	[tilespmem:v24+s13+$0x0] =	vst.idx.msk $0xffff, v1  }
0x56: {  	v1 =	vld [tilespmem:$0x2C0];
	_ =	sdelay $0x4  }
0x57: {  	[tilespmem:v25+s13+$0x0] =	vst.idx.msk $0xffff, v1  }
0x58: {  	v1 =	vld [tilespmem:$0xD0];
	_ =	sdelay $0x4  }
0x59: {  	[tilespmem:v26+s13+$0x0] =	vst.idx.msk $0xffff, v1  }
0x5a: {  	v1 =	vld [tilespmem:$0x2D0];
	_ =	sdelay $0x4  }
0x5b: {  	[tilespmem:v27+s13+$0x0] =	vst.idx.msk $0xffff, v1  }
0x5c: {  	v1 =	vld [tilespmem:$0xE0];
	_ =	sdelay $0x4  }
0x5d: {  	[tilespmem:v28+s13+$0x0] =	vst.idx.msk $0xffff, v1  }
0x5e: {  	v1 =	vld [tilespmem:$0x2E0];
	_ =	sdelay $0x4  }
0x5f: {  	[tilespmem:v29+s13+$0x0] =	vst.idx.msk $0xffff, v1  }
0x60: {  	v1 =	vld [tilespmem:$0xF0];
	_ =	sdelay $0x4  }
0x61: {  	[tilespmem:v30+s13+$0x0] =	vst.idx.msk $0xffff, v1  }
0x62: {  	v1 =	vld [tilespmem:$0x2F0];
	_ =	sdelay $0x4  }
0x63: {  	[tilespmem:v31+s13+$0x0] =	vst.idx.msk $0xffff, v1  }
0x64: {  	v1 =	vld [tilespmem:$0x100];
	_ =	sdelay $0x4  }
0x65: {  	[tilespmem:v32+s13+$0x0] =	vst.idx.msk $0xffff, v1  }
0x66: {  	v1 =	vld [tilespmem:$0x300];
	_ =	sdelay $0x4  }
0x67: {  	[tilespmem:v33+s13+$0x0] =	vst.idx.msk $0xffff, v1  }
0x68: {  	v1 =	vld [tilespmem:$0x110];
	_ =	sdelay $0x4  }
0x69: {  	[tilespmem:v34+s13+$0x0] =	vst.idx.msk $0xffff, v1  }
0x6a: {  	v1 =	vld [tilespmem:$0x310];
	_ =	sdelay $0x4  }
0x6b: {  	[tilespmem:v35+s13+$0x0] =	vst.idx.msk $0xffff, v1  }
0x6c: {  	v1 =	vld [tilespmem:$0x120];
	_ =	sdelay $0x4  }
0x6d: {  	[tilespmem:v36+s13+$0x0] =	vst.idx.msk $0xffff, v1  }
0x6e: {  	v1 =	vld [tilespmem:$0x320];
	_ =	sdelay $0x4  }
0x6f: {  	[tilespmem:v37+s13+$0x0] =	vst.idx.msk $0xffff, v1  }
0x70: {  	v1 =	vld [tilespmem:$0x130];
	_ =	sdelay $0x4  }
0x71: {  	[tilespmem:v38+s13+$0x0] =	vst.idx.msk $0xffff, v1  }
0x72: {  	v1 =	vld [tilespmem:$0x330];
	_ =	sdelay $0x4  }
0x73: {  	[tilespmem:v39+s13+$0x0] =	vst.idx.msk $0xffff, v1  }
0x74: {  	v1 =	vld [tilespmem:$0x140];
	_ =	sdelay $0x4  }
0x75: {  	[tilespmem:v40+s13+$0x0] =	vst.idx.msk $0xffff, v1  }
0x76: {  	v1 =	vld [tilespmem:$0x340];
	_ =	sdelay $0x4  }
0x77: {  	[tilespmem:v41+s13+$0x0] =	vst.idx.msk $0xffff, v1  }
0x78: {  	v1 =	vld [tilespmem:$0x150];
	_ =	sdelay $0x4  }
0x79: {  	[tilespmem:v42+s13+$0x0] =	vst.idx.msk $0xffff, v1  }
0x7a: {  	v1 =	vld [tilespmem:$0x350];
	_ =	sdelay $0x4  }
0x7b: {  	[tilespmem:v43+s13+$0x0] =	vst.idx.msk $0xffff, v1  }
0x7c: {  	v1 =	vld [tilespmem:$0x160];
	_ =	sdelay $0x4  }
0x7d: {  	[tilespmem:v44+s13+$0x0] =	vst.idx.msk $0xffff, v1  }
0x7e: {  	v1 =	vld [tilespmem:$0x360];
	_ =	sdelay $0x4  }
0x7f: {  	[tilespmem:v45+s13+$0x0] =	vst.idx.msk $0xffff, v1  }
0x80: {  	v1 =	vld [tilespmem:$0x170];
	_ =	sdelay $0x4  }
0x81: {  	[tilespmem:v46+s13+$0x0] =	vst.idx.msk $0xffff, v1  }
0x82: {  	v1 =	vld [tilespmem:$0x370];
	_ =	sdelay $0x4  }
0x83: {  	[tilespmem:v47+s13+$0x0] =	vst.idx.msk $0xffff, v1  }
0x84: {  	v1 =	vld [tilespmem:$0x180];
	_ =	sdelay $0x4  }
0x85: {  	[tilespmem:v48+s13+$0x0] =	vst.idx.msk $0xffff, v1  }
0x86: {  	v1 =	vld [tilespmem:$0x380];
	_ =	sdelay $0x4  }
0x87: {  	[tilespmem:v49+s13+$0x0] =	vst.idx.msk $0xffff, v1  }
0x88: {  	v1 =	vld [tilespmem:$0x190];
	_ =	sdelay $0x4  }
0x89: {  	[tilespmem:v50+s13+$0x0] =	vst.idx.msk $0xffff, v1  }
0x8a: {  	v1 =	vld [tilespmem:$0x390];
	_ =	sdelay $0x4  }
0x8b: {  	[tilespmem:v51+s13+$0x0] =	vst.idx.msk $0xffff, v1  }
0x8c: {  	v1 =	vld [tilespmem:$0x1A0];
	_ =	sdelay $0x4  }
0x8d: {  	[tilespmem:v52+s13+$0x0] =	vst.idx.msk $0xffff, v1  }
0x8e: {  	v1 =	vld [tilespmem:$0x3A0];
	_ =	sdelay $0x4  }
0x8f: {  	[tilespmem:v53+s13+$0x0] =	vst.idx.msk $0xffff, v1  }
0x90: {  	v1 =	vld [tilespmem:$0x1B0];
	_ =	sdelay $0x4  }
0x91: {  	[tilespmem:v54+s13+$0x0] =	vst.idx.msk $0xffff, v1  }
0x92: {  	v1 =	vld [tilespmem:$0x3B0];
	_ =	sdelay $0x4  }
0x93: {  	[tilespmem:v55+s13+$0x0] =	vst.idx.msk $0xffff, v1  }
0x94: {  	v1 =	vld [tilespmem:$0x1C0];
	_ =	sdelay $0x4  }
0x95: {  	[tilespmem:v56+s13+$0x0] =	vst.idx.msk $0xffff, v1  }
0x96: {  	v1 =	vld [tilespmem:$0x3C0];
	_ =	sdelay $0x4  }
0x97: {  	[tilespmem:v57+s13+$0x0] =	vst.idx.msk $0xffff, v1  }
0x98: {  	v1 =	vld [tilespmem:$0x1D0];
	_ =	sdelay $0x4  }
0x99: {  	[tilespmem:v58+s13+$0x0] =	vst.idx.msk $0xffff, v1  }
0x9a: {  	v1 =	vld [tilespmem:$0x3D0];
	_ =	sdelay $0x4  }
0x9b: {  	[tilespmem:v59+s13+$0x0] =	vst.idx.msk $0xffff, v1  }
0x9c: {  	v1 =	vld [tilespmem:$0x1E0];
	_ =	sdelay $0x4  }
0x9d: {  	[tilespmem:v60+s13+$0x0] =	vst.idx.msk $0xffff, v1  }
0x9e: {  	v1 =	vld [tilespmem:$0x3E0];
	_ =	sdelay $0x4  }
0x9f: {  	[tilespmem:v61+s13+$0x0] =	vst.idx.msk $0xffff, v1  }
0xa0: {  	v1 =	vld [tilespmem:$0x1F0];
	_ =	sdelay $0x4  }
0xa1: {  	[tilespmem:v62+s13+$0x0] =	vst.idx.msk $0xffff, v1  }
0xa2: {  	v1 =	vld [tilespmem:$0x3F0];
	_ =	sdelay $0x4  }
0xa3: {  	[tilespmem:v63+s13+$0x0] =	vst.idx.msk $0xffff, v1  }
0xa4: {  	_ =	swait.ge [sflag:s14], $0x3E8  }
0xa5: {  	[sflag:s14] =	ssyncset.done $0x0  }
0xa6: {  	[sflag:s14] =	ssyncadd.s32 $0xFFFFFC18  }
0xa7: {  	[bflag:$0x0] =	sbarrier.arrive $0xFFFF  }
0xa8: {  	[tilespmem:s16], [sflag:$0x1] =	stream.indirect.gather [spmem:s1], $0x40, s13, s15, $0xb8;
	[tilespmem:$0x12740] =	vst v63  }
0xa9: {  	_ = 	snop  }
0xaa: {  	[tilespmem:s18], [sflag:$0x1] =	stream.indirect.gather [spmem:s1], $0x40, s17, s15, $0xb8;
	[tilespmem:$0x12740] =	vst v63  }
0xab: {  	_ = 	snop  }
0xac: {  	[tilespmem:s20], [sflag:$0x1] =	stream.indirect.gather [spmem:s1], $0x40, s19, s15, $0xb8;
	[tilespmem:$0x12740] =	vst v63  }
0xad: {  	_ = 	snop  }
0xae: {  	[tilespmem:s22], [sflag:$0x1] =	stream.indirect.gather [spmem:s1], $0x40, s21, s15, $0xb8;
	[tilespmem:$0x12740] =	vst v63  }
0xaf: {  	_ = 	snop  }
0xb0: {  	[tilespmem:s24], [sflag:$0x1] =	stream.indirect.gather [spmem:s1], $0x40, s23, s15, $0xb8;
	[tilespmem:$0x12740] =	vst v63  }
0xb1: {  	_ = 	snop  }
0xb2: {  	[tilespmem:s26], [sflag:$0x1] =	stream.indirect.gather [spmem:s1], $0x40, s25, s15, $0xb8;
	[tilespmem:$0x12740] =	vst v63  }
0xb3: {  	_ = 	snop  }
0xb4: {  	[tilespmem:s29], [sflag:$0x1] =	stream.indirect.gather [spmem:s1], $0x40, s28, s15, $0xb8;
	[tilespmem:$0x12740] =	vst v63  }
0xb5: {  	_ = 	snop  }
0xb6: {  	[tilespmem:s31], [sflag:$0x1] =	stream.indirect.gather [spmem:s1], $0x40, s30, s15, $0xb8;
	[tilespmem:$0x12740] =	vst v63  }
0xb7: {  	_ =	swait.ge [sflag:s0], $0x2000  }
0xb8: {  	[sflag:s0] =	ssyncset.done $0x0  }
0xb9: {  	[sflag:s0] =	ssyncadd.s32 $0xFFFFE000  }
0xba: {  	_ =	swait.ge [sflag:s0], $0x2000  }
0xbb: {  	[sflag:s0] =	ssyncset.done $0x0  }
0xbc: {  	[sflag:s0] =	ssyncadd.s32 $0xFFFFE000  }
0xbd: {  	_ =	swait.ge [sflag:s0], $0x2000  }
0xbe: {  	[sflag:s0] =	ssyncset.done $0x0  }
0xbf: {  	[sflag:s0] =	ssyncadd.s32 $0xFFFFE000  }
0xc0: {  	_ =	swait.ge [sflag:s0], $0x2000  }
0xc1: {  	[sflag:s0] =	ssyncset.done $0x0  }
0xc2: {  	[sflag:s0] =	ssyncadd.s32 $0xFFFFE000  }
0xc3: {  	[hbm4b:s7+s2] =	stream.linear.scatter [tilespmem:s16], [sflag:$0x2], $0x8000, $0x38;
	[tilespmem:$0x12740] =	vst v63  }
0xc4: {  	_ =	swait.ge [sflag:s0], $0x2000  }
0xc5: {  	[sflag:s0] =	ssyncset.done $0x0  }
0xc6: {  	[sflag:s0] =	ssyncadd.s32 $0xFFFFE000  }
0xc7: {  	_ =	swait.ge [sflag:s0], $0x2000  }
0xc8: {  	[sflag:s0] =	ssyncset.done $0x0  }
0xc9: {  	[sflag:s0] =	ssyncadd.s32 $0xFFFFE000  }
0xca: {  	_ =	swait.ge [sflag:s0], $0x2000  }
0xcb: {  	[sflag:s0] =	ssyncset.done $0x0  }
0xcc: {  	[sflag:s0] =	ssyncadd.s32 $0xFFFFE000  }
0xcd: {  	_ =	swait.ge [sflag:s0], $0x2000  }
0xce: {  	[sflag:s0] =	ssyncset.done $0x0  }
0xcf: {  	[sflag:s0] =	ssyncadd.s32 $0xFFFFE000  }
0xd0: {  	_ =	swait.ge [sflag:s14], $0x8000  }
0xd1: {  	p0 =	sne.s32 s9, $0x1;
	[sflag:s14] =	ssyncset.done $0x0  }
.Ltmp0:
0xd2: {  	[sflag:s14] =	ssyncadd.s32 $0xFFFF8000;
	(pc) =	sbr.rel @p0 .LBB2_1-.Ltmp0, $4  }
0xd3: {  	[hbm4b:s8+s2] =	stream.linear.scatter [tilespmem:s24], [sflag:$0x3], $0x8000, $0x38;
	[tilespmem:$0x12740] =	vst v63  }
0xd4: {  	_ =	swait.ge [sflag:s11], $0x8000  }
0xd5: {  	[sflag:s11] =	ssyncset.done $0x0  }
0xd6: {  	s9 =	sadd.s32 $0xFFFFFFFF, s9;
	[sflag:s11] =	ssyncadd.s32 $0xFFFF8000  }
0xd7: {  	_ =	sfence.sel $0x180000  }
0xd8: {  	[bflag:$0x0] =	sbarrier.arrive $0xFFFF  }
0xd9: {  	_ =	strace $0x90000047  }
0xda: {  	s0 =	stileid.u32;
	[bflag:$0x2] =	sbarrier.arrive $0xFFFF  }
0xdb: {  	p0 =	sne.s32 s0, $0x0;
	s0 =	rddreg [dreg:$0x3]  }
0xdc: {  	s0 =	sadd.s32 @!p0 $0x100000, s0  }
0xdd: {  	[sflag:s0] =	ssyncadd.tile.s32 @!p0 $0x1;
	_ =	shalt  }
.Lfunc_end2:
_tile_overlayer_lowered:
.L_overlay_start_2:
0xde: {  	(tag) =	ssettag $0x2  }
0xdf: {  	s0 =	rddreg [dreg:$0x0];
	s2 =	stileid.u32  }
0xe0: {  	s1 =	rddreg [dreg:$0x1];
	p0 =	sne.s32 s2, $0x0  }
0xe1: {  	s3 =	rddreg [dreg:$0x2];
	[bflag:$0x3] =	sbarrier.arrive $0xFFFF;
	s2 =	simm.s32 @!p0 $0x1C03  }
0xe2: {  	[timem:s3], [sflag:s2] =	dma.local @!p0 [hbm:s0], s1  }
0xe3: {  	s0 =	simm.s32 @!p0 $0x3  }
0xe4: {  	_ =	swait.ge @!p0 [sflag:s0], s1  }
0xe5: {  	s1 =	ssub.s32 @!p0 $0x0, s1;
	[sflag:s0] =	ssyncset.done @!p0 $0x0  }
0xe6: {  	[sflag:s0] =	ssyncadd.s32 @!p0 s1  }
0xe7: {  	[bflag:$0x3] =	sbarrier.arrive $0xFFFF  }
0xe8: {  	_ =	shalt  }

</sc_bundles>
